<compile_context>
chip_gen: v7x
topology: tpu7x:2x2x1
jax: 0.10.2.dev20260603
libtpu: 0.0.44.dev20260713+nightly
codegen_flags: <defaults>
</compile_context>

<pallas_src>
import jax
import jax.numpy as jnp
from jax import lax
from jax.experimental import pallas as pl
from jax.experimental.pallas import tpu as pltpu
from jax.experimental.pallas import tpu_sc as plsc

N = 10000
D = 256
H = 128
NC = 2
NS = 16
NW = NC * NS
CH = 128
GC = 8
NBUF = 2
SLICE = 640
N_PAD = NS * SLICE
LAST = N - (NS - 1) * SLICE
RB = 400
F32 = jnp.float32

_MESH = plsc.VectorSubcoreMesh(core_axis_name="c", subcore_axis_name="s")


def _deg_body(dstc, out, idx2, ones_v, zbuf, hist):
    c = lax.axis_index("c")
    s = lax.axis_index("s")
    nch = dstc.shape[0]
    half = nch // NC
    cpt = half // NS

    for j in range(CH // 16):
        ones_v[pl.ds(j * 16, 16)] = jnp.ones((16,), F32)

    def _z(i, _):
        zbuf[pl.ds(i * 16, 16)] = jnp.zeros((16,), F32)
        return 0

    lax.fori_loop(0, SLICE // 16, _z, 0)
    pltpu.sync_copy(zbuf, hist.at[pl.ds(s * SLICE, SLICE)])
    plsc.subcore_barrier()

    def _chunk(i, _):
        ch = c * half + s * cpt + i
        pltpu.sync_copy(dstc.at[ch], idx2.at[0])
        pltpu.sync_copy(ones_v, hist.at[idx2.at[0]], add=True)
        return 0

    lax.fori_loop(0, cpt, _chunk, 0)
    plsc.subcore_barrier()
    pltpu.sync_copy(hist.at[pl.ds(s * SLICE, SLICE)],
                    out.at[c, pl.ds(s * SLICE, SLICE)])


def _agg_body(h, ec, out, ibuf, rows, acc, gsem):
    c = lax.axis_index("c")
    s = lax.axis_index("s")
    nchg = ec.shape[1]
    grp = nchg // NS
    cpt = grp * GC

    def _gissue(f):
        g = f // GC
        j = lax.rem(f, GC)
        gb = lax.rem(g, 2)

        @pl.when(j == 0)
        def _():
            pltpu.sync_copy(ec.at[c, s * grp + g], ibuf.at[gb])

        b = lax.rem(f, NBUF)
        pltpu.async_copy(h.at[ibuf.at[gb, j, 0]], rows.at[b], gsem.at[b])

    @pl.when(s < NS - 1)
    def _():
        pltpu.sync_copy(h.at[pl.ds(c * N + s * SLICE, SLICE)],
                        acc.at[pl.ds(s * SLICE, SLICE)])

    @pl.when(s == NS - 1)
    def _():
        pltpu.sync_copy(h.at[pl.ds(c * N + s * SLICE, LAST)],
                        acc.at[pl.ds(s * SLICE, LAST)])

    _gissue(0)
    plsc.subcore_barrier()

    def _chunk(i, _):
        f = i + 1

        @pl.when(f < cpt)
        def _():
            _gissue(f)

        b = lax.rem(i, NBUF)
        pltpu.make_async_copy(h.at[pl.ds(0, CH)], rows.at[b],
                              gsem.at[b]).wait()
        g = i // GC
        j = lax.rem(i, GC)
        pltpu.sync_copy(rows.at[b], acc.at[ibuf.at[lax.rem(g, 2), j, 1]],
                        add=True)
        return 0

    lax.fori_loop(0, cpt, _chunk, 0)
    plsc.subcore_barrier()

    @pl.when(s < NS - 1)
    def _():
        pltpu.sync_copy(acc.at[pl.ds(s * SLICE, SLICE)],
                        out.at[c, pl.ds(s * SLICE, SLICE)])

    @pl.when(s == NS - 1)
    def _():
        pltpu.sync_copy(acc.at[pl.ds(s * SLICE, LAST)],
                        out.at[c, pl.ds(s * SLICE, LAST)])


def _deg_call(dstc):
    return pl.kernel(
        _deg_body,
        out_type=jax.ShapeDtypeStruct((NC, N_PAD), F32),
        mesh=_MESH,
        scratch_types=[
            pltpu.VMEM((2, CH), jnp.int32),
            pltpu.VMEM((CH,), F32),
            pltpu.VMEM((SLICE,), F32),
            pltpu.VMEM_SHARED((N_PAD,), F32),
        ],
    )(dstc)


def _agg_call(h, ec):
    return pl.kernel(
        _agg_body,
        out_type=jax.ShapeDtypeStruct((NC, N, H), F32),
        mesh=_MESH,
        scratch_types=[
            pltpu.VMEM((2, GC, 2, CH), jnp.int32),
            pltpu.VMEM((NBUF, CH, H), F32),
            pltpu.VMEM_SHARED((N_PAD, H), F32),
            pltpu.SemaphoreType.DMA((NBUF,)),
        ],
    )(h, ec)


def _mm1_body(deg_ref, x_ref, w_ref, h_ref, norm_ref):
    d = deg_ref[:, 0] + deg_ref[:, 1] + 1.0
    nrm = lax.rsqrt(jnp.maximum(d, 1.0))
    h = jnp.dot(x_ref[...], w_ref[...], preferred_element_type=F32)
    hn = h * nrm[:, None]
    h_ref[0] = hn[:, :H]
    h_ref[1] = hn[:, H:]
    norm_ref[...] = nrm[:, None]


def _mid_body(s_ref, norm_ref, b_ref, w_ref, h_ref):
    n = norm_ref[...]
    xa = jnp.maximum(s_ref[0] * n + b_ref[0, :H], 0.0)
    xb = jnp.maximum(s_ref[1] * n + b_ref[0, H:], 0.0)
    x2 = jnp.concatenate([xa, xb], axis=1)
    hn = jnp.dot(x2, w_ref[...], preferred_element_type=F32) * n
    h_ref[0] = hn[:, :H]
    h_ref[1] = hn[:, H:]


def _fin_body(s_ref, norm_ref, b_ref, o_ref):
    n = norm_ref[...]
    o_ref[...] = jnp.concatenate(
        [s_ref[0] * n + b_ref[0, :H], s_ref[1] * n + b_ref[0, H:]], axis=1)


def _mm1_call(deg, x, w):
    return pl.pallas_call(
        _mm1_body,
        grid=(N // RB,),
        in_specs=[
            pl.BlockSpec((RB, 2), lambda i: (i, 0)),
            pl.BlockSpec((RB, D), lambda i: (i, 0)),
            pl.BlockSpec((D, D), lambda i: (0, 0)),
        ],
        out_specs=[
            pl.BlockSpec((NC, RB, H), lambda i: (0, i, 0)),
            pl.BlockSpec((RB, 1), lambda i: (i, 0)),
        ],
        out_shape=[
            jax.ShapeDtypeStruct((NC, N, H), F32),
            jax.ShapeDtypeStruct((N, 1), F32),
        ],
    )(deg, x, w)


def _mid_call(s1, norm, b, w):
    return pl.pallas_call(
        _mid_body,
        grid=(N // RB,),
        in_specs=[
            pl.BlockSpec((NC, RB, H), lambda i: (0, i, 0)),
            pl.BlockSpec((RB, 1), lambda i: (i, 0)),
            pl.BlockSpec((1, D), lambda i: (0, 0)),
            pl.BlockSpec((D, D), lambda i: (0, 0)),
        ],
        out_specs=pl.BlockSpec((NC, RB, H), lambda i: (0, i, 0)),
        out_shape=jax.ShapeDtypeStruct((NC, N, H), F32),
    )(s1, norm, b, w)


def _fin_call(s2, norm, b):
    return pl.pallas_call(
        _fin_body,
        grid=(N // RB,),
        in_specs=[
            pl.BlockSpec((NC, RB, H), lambda i: (0, i, 0)),
            pl.BlockSpec((RB, 1), lambda i: (i, 0)),
            pl.BlockSpec((1, D), lambda i: (0, 0)),
        ],
        out_specs=pl.BlockSpec((RB, D), lambda i: (i, 0)),
        out_shape=jax.ShapeDtypeStruct((N, D), F32),
    )(s2, norm, b)


def kernel(features, edge_index, W1, b1, W2, b2):
    E = edge_index.shape[1]
    nch = -(-E // CH)
    nch = -(-nch // (NW * GC)) * NW * GC
    nchg = nch // GC
    Ep = nch * CH

    src = edge_index[0].astype(jnp.int32)
    dst = edge_index[1].astype(jnp.int32)
    srcp = jnp.concatenate([src, jnp.zeros((Ep - E,), jnp.int32)])
    dstp = jnp.concatenate([dst, jnp.full((Ep - E,), N, jnp.int32)])
    src_r = jnp.stack([srcp, srcp + N]).reshape(NC, nchg, GC, 1, CH)
    dst_r = jnp.broadcast_to(dstp, (NC, Ep)).reshape(NC, nchg, GC, 1, CH)
    ec = jnp.concatenate([src_r, dst_r], axis=3)
    dstc = dstp.reshape(nch, CH)

    deg = _deg_call(dstc)
    h1, norm = _mm1_call(deg.T, features, W1)
    s1 = _agg_call(h1.reshape(NC * N, H), ec)
    h2 = _mid_call(s1, norm, b1.reshape(1, D), W2)
    s2 = _agg_call(h2.reshape(NC * N, H), ec)
    return _fin_call(s2, norm, b2.reshape(1, D))

# --- scband reference (transcript-rebuilt; emitter-appended) ---
"""Pipeline reference for scband-gcn-21242908246158 (READ-ONLY COPY).

The authoritative reference and input builder live on the scoring server;
editing this copy changes nothing except your own understanding.
"""

import jax, jax.numpy as jnp
import numpy as np

N = 10000
E = 160000
D_IN = 256
D_OUT = 256


def setup_inputs(seed: int = 0) -> dict:
    key = jax.random.key(seed)
    k1, k2, k3, k4, k5, k6 = jax.random.split(key, 6)
    features = jax.random.normal(k1, (N, D_IN), dtype=jnp.float32)
    edge_index = jax.random.randint(k2, (2, E), 0, N)
    # GraphConv parameters (xavier-uniform-like init)
    s1 = float(np.sqrt(6.0 / (D_IN + D_OUT)))
    W1 = jax.random.uniform(k3, (D_IN, D_OUT), minval=-s1, maxval=s1, dtype=jnp.float32)
    b1 = jnp.zeros((D_OUT,), dtype=jnp.float32)
    s2 = float(np.sqrt(6.0 / (D_OUT + D_OUT)))
    W2 = jax.random.uniform(k4, (D_OUT, D_OUT), minval=-s2, maxval=s2, dtype=jnp.float32)
    b2 = jnp.zeros((D_OUT,), dtype=jnp.float32)
    return {"features": features, "edge_index": edge_index, "W1": W1, "b1": b1, "W2": W2, "b2": b2}


def _graph_conv(x, W, b, src, dst, norm):
    # DGL GraphConv with norm='both': out = D^{-1/2} A D^{-1/2} (X W) + b
    h = x @ W
    h = h * norm[:, None]
    msg = jnp.take(h, src, axis=0)
    agg = jax.ops.segment_sum(msg, dst, num_segments=N)
    agg = agg * norm[:, None]
    return agg + b


def reference(features, edge_index, W1, b1, W2, b2):
    # forward does dgl.add_self_loop(g): append self-loop edges once
    loop = jnp.arange(N, dtype=edge_index.dtype)
    src = jnp.concatenate([edge_index[0], loop])
    dst = jnp.concatenate([edge_index[1], loop])
    # symmetric degree normalization (in-degree incl. self loops; deg >= 1)
    deg = jnp.zeros((N,), dtype=features.dtype).at[dst].add(1.0)
    norm = jax.lax.rsqrt(jnp.maximum(deg, 1.0))
    x = _graph_conv(features, W1, b1, src, dst, norm)
    x = jax.nn.relu(x)
    x = _graph_conv(x, W2, b2, src, dst, norm)
    return x

if __name__ == "__main__":
    import jax
    _d = setup_inputs()
    print(jax.jit(kernel)(*tuple(_d.values())))

</pallas_src>

<mosaic_0001>
#map = affine_map<(d0, d1) -> (0, 0)>
#map1 = affine_map<(d0, d1) -> (0, 0, 0, 0, 0)>
#map2 = affine_map<(d0, d1) -> (0, 0, 0)>
module attributes {stable_mosaic.version = 14 : i64} {
  func.func @_agg_body(%arg0: i32, %arg1: i32, %arg2: memref<20000x128xf32, #tpu.memory_space<hbm>>, %arg3: memref<2x160x8x2x128xi32, #tpu.memory_space<hbm>>, %arg4: memref<2x10000x128xf32, #tpu.memory_space<hbm>>, %arg5: memref<2x8x2x128xi32, #tpu.memory_space<vmem>>, %arg6: memref<2x128x128xf32, #tpu.memory_space<vmem>>, %arg7: memref<10240x128xf32, #tpu.memory_space<vmem_shared>>, %arg8: memref<2x!tpu.dma_semaphore, #tpu.memory_space<semaphore_mem>>) attributes {dimension_semantics = [#tpu.dimension_semantics<core_parallel>, #tpu.dimension_semantics<subcore_parallel>], iteration_bounds = array<i64: 2, 16>, scalar_prefetch = 0 : i64, scratch_operands = 4 : i64, tpu.core_type = #tpu.core_type<sc_vector_subcore>, window_params = [{transform_indices = #map}, {transform_indices = #map1}, {transform_indices = #map2}]} {
    %lt3A = arith.constant 15 : i32
    %lt3A_0 = arith.cmpi slt, %arg1, %lt3A : i32
    %convert_element_type3A = arith.extui %lt3A_0 : i1 to i32
    %cond3A = arith.constant 0 : i32
    %cond3A_1 = arith.cmpi ne, %convert_element_type3A, %cond3A : i32
    scf.if %cond3A_1 {
      %mul3A = arith.constant 10000 : i32
      %mul3A_48 = arith.muli %arg0, %mul3A : i32
      %mul3A_49 = arith.constant 640 : i32
      %mul3A_50 = arith.muli %arg1, %mul3A_49 : i32
      %add3A = arith.addi %mul3A_48, %mul3A_50 : i32
      %mul3A_51 = arith.constant 640 : i32
      %mul3A_52 = arith.muli %arg1, %mul3A_51 : i32
      "tpu.region"() ({
        %run_scoped3A = tpu.sem_alloc : memref<!tpu.dma_semaphore, #tpu.memory_space<semaphore_mem>>
        %dma_start3A_53 = arith.constant 0 : i32
        %dma_start3A_54 = tpu.memref_slice %arg7[%mul3A_52, %dma_start3A_53] : memref<10240x128xf32, #tpu.memory_space<vmem_shared>> -> memref<640x128xf32, #tpu.memory_space<vmem_shared>>
        %dma_start3A_55 = arith.constant 0 : i32
        %dma_start3A_56 = tpu.memref_slice %arg2[%add3A, %dma_start3A_55] : memref<20000x128xf32, #tpu.memory_space<hbm>> -> memref<640x128xf32, #tpu.memory_space<hbm>>
        tpu.enqueue_dma source(%dma_start3A_56 : memref<640x128xf32, #tpu.memory_space<hbm>>) target(%dma_start3A_54 : memref<640x128xf32, #tpu.memory_space<vmem_shared>>) target_semaphore(%run_scoped3A : memref<!tpu.dma_semaphore, #tpu.memory_space<semaphore_mem>>)
        %dma_wait3A = arith.constant 0 : i32
        %dma_wait3A_57 = tpu.memref_slice %arg7[%mul3A_52, %dma_wait3A] : memref<10240x128xf32, #tpu.memory_space<vmem_shared>> -> memref<640x128xf32, #tpu.memory_space<vmem_shared>>
        %dma_wait3A_58 = arith.constant 0 : i32
        %dma_wait3A_59 = tpu.memref_slice %arg2[%add3A, %dma_wait3A_58] : memref<20000x128xf32, #tpu.memory_space<hbm>> -> memref<640x128xf32, #tpu.memory_space<hbm>>
        tpu.wait_dma2 semaphore(%run_scoped3A : memref<!tpu.dma_semaphore, #tpu.memory_space<semaphore_mem>>) src(%dma_wait3A_59 : memref<640x128xf32, #tpu.memory_space<hbm>>) dst(%dma_wait3A_57 : memref<640x128xf32, #tpu.memory_space<vmem_shared>>)
        tpu.yield
      }) : () -> ()
    } else {
    }
    %eq3A = arith.constant 15 : i32
    %eq3A_2 = arith.cmpi eq, %arg1, %eq3A : i32
    %convert_element_type3A_3 = arith.extui %eq3A_2 : i1 to i32
    %cond3A_4 = arith.constant 0 : i32
    %cond3A_5 = arith.cmpi ne, %convert_element_type3A_3, %cond3A_4 : i32
    scf.if %cond3A_5 {
      %mul3A = arith.constant 10000 : i32
      %mul3A_48 = arith.muli %arg0, %mul3A : i32
      %mul3A_49 = arith.constant 640 : i32
      %mul3A_50 = arith.muli %arg1, %mul3A_49 : i32
      %add3A = arith.addi %mul3A_48, %mul3A_50 : i32
      %mul3A_51 = arith.constant 640 : i32
      %mul3A_52 = arith.muli %arg1, %mul3A_51 : i32
      "tpu.region"() ({
        %run_scoped3A = tpu.sem_alloc : memref<!tpu.dma_semaphore, #tpu.memory_space<semaphore_mem>>
        %dma_start3A_53 = arith.constant 0 : i32
        %dma_start3A_54 = tpu.memref_slice %arg7[%mul3A_52, %dma_start3A_53] : memref<10240x128xf32, #tpu.memory_space<vmem_shared>> -> memref<400x128xf32, #tpu.memory_space<vmem_shared>>
        %dma_start3A_55 = arith.constant 0 : i32
        %dma_start3A_56 = tpu.memref_slice %arg2[%add3A, %dma_start3A_55] : memref<20000x128xf32, #tpu.memory_space<hbm>> -> memref<400x128xf32, #tpu.memory_space<hbm>>
        tpu.enqueue_dma source(%dma_start3A_56 : memref<400x128xf32, #tpu.memory_space<hbm>>) target(%dma_start3A_54 : memref<400x128xf32, #tpu.memory_space<vmem_shared>>) target_semaphore(%run_scoped3A : memref<!tpu.dma_semaphore, #tpu.memory_space<semaphore_mem>>)
        %dma_wait3A = arith.constant 0 : i32
        %dma_wait3A_57 = tpu.memref_slice %arg7[%mul3A_52, %dma_wait3A] : memref<10240x128xf32, #tpu.memory_space<vmem_shared>> -> memref<400x128xf32, #tpu.memory_space<vmem_shared>>
        %dma_wait3A_58 = arith.constant 0 : i32
        %dma_wait3A_59 = tpu.memref_slice %arg2[%add3A, %dma_wait3A_58] : memref<20000x128xf32, #tpu.memory_space<hbm>> -> memref<400x128xf32, #tpu.memory_space<hbm>>
        tpu.wait_dma2 semaphore(%run_scoped3A : memref<!tpu.dma_semaphore, #tpu.memory_space<semaphore_mem>>) src(%dma_wait3A_59 : memref<400x128xf32, #tpu.memory_space<hbm>>) dst(%dma_wait3A_57 : memref<400x128xf32, #tpu.memory_space<vmem_shared>>)
        tpu.yield
      }) : () -> ()
    } else {
    }
    %rem3A = arith.constant 0 : i32
    %rem3A_6 = arith.constant 8 : i32
    %rem3A_7 = arith.remsi %rem3A, %rem3A_6 : i32
    %rem3A_8 = arith.constant 0 : i32
    %rem3A_9 = arith.constant 2 : i32
    %rem3A_10 = arith.remsi %rem3A_8, %rem3A_9 : i32
    %eq3A_11 = arith.constant 0 : i32
    %eq3A_12 = arith.cmpi eq, %rem3A_7, %eq3A_11 : i32
    %convert_element_type3A_13 = arith.extui %eq3A_12 : i1 to i32
    %cond3A_14 = arith.constant 0 : i32
    %cond3A_15 = arith.cmpi ne, %convert_element_type3A_13, %cond3A_14 : i32
    scf.if %cond3A_15 {
      %mul3A = arith.constant 10 : i32
      %mul3A_48 = arith.muli %arg1, %mul3A : i32
      %add3A = arith.constant 0 : i32
      %add3A_49 = arith.addi %mul3A_48, %add3A : i32
      "tpu.region"() ({
        %run_scoped3A = tpu.sem_alloc : memref<!tpu.dma_semaphore, #tpu.memory_space<semaphore_mem>>
        %dma_start3A_50 = arith.constant 0 : i32
        %dma_start3A_51 = arith.constant 0 : i32
        %dma_start3A_52 = arith.constant 0 : i32
        %dma_start3A_53 = tpu.memref_slice %arg5[%rem3A_10, %dma_start3A_50, %dma_start3A_51, %dma_start3A_52] : memref<2x8x2x128xi32, #tpu.memory_space<vmem>> -> memref<1x8x2x128xi32, #tpu.memory_space<vmem>>
        %dma_start3A_54 = tpu.memref_squeeze %dma_start3A_53 : memref<1x8x2x128xi32, #tpu.memory_space<vmem>> -> memref<8x2x128xi32, #tpu.memory_space<vmem>>
        %dma_start3A_55 = arith.constant 0 : i32
        %dma_start3A_56 = arith.constant 0 : i32
        %dma_start3A_57 = arith.constant 0 : i32
        %dma_start3A_58 = tpu.memref_slice %arg3[%arg0, %add3A_49, %dma_start3A_55, %dma_start3A_56, %dma_start3A_57] : memref<2x160x8x2x128xi32, #tpu.memory_space<hbm>> -> memref<1x1x8x2x128xi32, #tpu.memory_space<hbm>>
        %dma_start3A_59 = tpu.memref_squeeze %dma_start3A_58 : memref<1x1x8x2x128xi32, #tpu.memory_space<hbm>> -> memref<8x2x128xi32, #tpu.memory_space<hbm>>
        %dma_start3A_60 = arith.constant 0 : i32
        %dma_start3A_61 = arith.constant 0 : i32
        %dma_start3A_62 = arith.constant 0 : i32
        %dma_start3A_63 = tpu.memref_slice %arg5[%rem3A_10, %dma_start3A_60, %dma_start3A_61, %dma_start3A_62] : memref<2x8x2x128xi32, #tpu.memory_space<vmem>> -> memref<1x8x2x128xi32, #tpu.memory_space<vmem>>
        %dma_start3A_64 = tpu.memref_squeeze %dma_start3A_63 : memref<1x8x2x128xi32, #tpu.memory_space<vmem>> -> memref<8x2x128xi32, #tpu.memory_space<vmem>>
        %dma_start3A_65 = arith.constant 0 : i32
        %dma_start3A_66 = arith.constant 0 : i32
        %dma_start3A_67 = arith.constant 0 : i32
        %dma_start3A_68 = tpu.memref_slice %arg3[%arg0, %add3A_49, %dma_start3A_65, %dma_start3A_66, %dma_start3A_67] : memref<2x160x8x2x128xi32, #tpu.memory_space<hbm>> -> memref<1x1x8x2x128xi32, #tpu.memory_space<hbm>>
        %dma_start3A_69 = tpu.memref_squeeze %dma_start3A_68 : memref<1x1x8x2x128xi32, #tpu.memory_space<hbm>> -> memref<8x2x128xi32, #tpu.memory_space<hbm>>
        tpu.enqueue_dma source(%dma_start3A_69 : memref<8x2x128xi32, #tpu.memory_space<hbm>>) target(%dma_start3A_64 : memref<8x2x128xi32, #tpu.memory_space<vmem>>) target_semaphore(%run_scoped3A : memref<!tpu.dma_semaphore, #tpu.memory_space<semaphore_mem>>)
        %dma_wait3A = arith.constant 0 : i32
        %dma_wait3A_70 = arith.constant 0 : i32
        %dma_wait3A_71 = arith.constant 0 : i32
        %dma_wait3A_72 = tpu.memref_slice %arg5[%rem3A_10, %dma_wait3A, %dma_wait3A_70, %dma_wait3A_71] : memref<2x8x2x128xi32, #tpu.memory_space<vmem>> -> memref<1x8x2x128xi32, #tpu.memory_space<vmem>>
        %dma_wait3A_73 = tpu.memref_squeeze %dma_wait3A_72 : memref<1x8x2x128xi32, #tpu.memory_space<vmem>> -> memref<8x2x128xi32, #tpu.memory_space<vmem>>
        %dma_wait3A_74 = arith.constant 0 : i32
        %dma_wait3A_75 = arith.constant 0 : i32
        %dma_wait3A_76 = arith.constant 0 : i32
        %dma_wait3A_77 = tpu.memref_slice %arg3[%arg0, %add3A_49, %dma_wait3A_74, %dma_wait3A_75, %dma_wait3A_76] : memref<2x160x8x2x128xi32, #tpu.memory_space<hbm>> -> memref<1x1x8x2x128xi32, #tpu.memory_space<hbm>>
        %dma_wait3A_78 = tpu.memref_squeeze %dma_wait3A_77 : memref<1x1x8x2x128xi32, #tpu.memory_space<hbm>> -> memref<8x2x128xi32, #tpu.memory_space<hbm>>
        %dma_wait3A_79 = arith.constant 0 : i32
        %dma_wait3A_80 = arith.constant 0 : i32
        %dma_wait3A_81 = arith.constant 0 : i32
        %dma_wait3A_82 = tpu.memref_slice %arg5[%rem3A_10, %dma_wait3A_79, %dma_wait3A_80, %dma_wait3A_81] : memref<2x8x2x128xi32, #tpu.memory_space<vmem>> -> memref<1x8x2x128xi32, #tpu.memory_space<vmem>>
        %dma_wait3A_83 = tpu.memref_squeeze %dma_wait3A_82 : memref<1x8x2x128xi32, #tpu.memory_space<vmem>> -> memref<8x2x128xi32, #tpu.memory_space<vmem>>
        %dma_wait3A_84 = arith.constant 0 : i32
        %dma_wait3A_85 = arith.constant 0 : i32
        %dma_wait3A_86 = arith.constant 0 : i32
        %dma_wait3A_87 = tpu.memref_slice %arg3[%arg0, %add3A_49, %dma_wait3A_84, %dma_wait3A_85, %dma_wait3A_86] : memref<2x160x8x2x128xi32, #tpu.memory_space<hbm>> -> memref<1x1x8x2x128xi32, #tpu.memory_space<hbm>>
        %dma_wait3A_88 = tpu.memref_squeeze %dma_wait3A_87 : memref<1x1x8x2x128xi32, #tpu.memory_space<hbm>> -> memref<8x2x128xi32, #tpu.memory_space<hbm>>
        tpu.wait_dma2 semaphore(%run_scoped3A : memref<!tpu.dma_semaphore, #tpu.memory_space<semaphore_mem>>) src(%dma_wait3A_88 : memref<8x2x128xi32, #tpu.memory_space<hbm>>) dst(%dma_wait3A_83 : memref<8x2x128xi32, #tpu.memory_space<vmem>>)
        tpu.yield
      }) : () -> ()
    } else {
    }
    %rem3A_16 = arith.constant 0 : i32
    %rem3A_17 = arith.constant 2 : i32
    %rem3A_18 = arith.remsi %rem3A_16, %rem3A_17 : i32
    %dma_start3A = arith.constant 0 : i32
    %dma_start3A_19 = arith.constant 0 : i32
    %dma_start3A_20 = arith.constant 0 : i32
    %dma_start3A_21 = tpu.memref_slice %arg6[%rem3A_18, %dma_start3A_19, %dma_start3A_20] : memref<2x128x128xf32, #tpu.memory_space<vmem>> -> memref<1x128x128xf32, #tpu.memory_space<vmem>>
    %dma_start3A_22 = tpu.memref_squeeze %dma_start3A_21 : memref<1x128x128xf32, #tpu.memory_space<vmem>> -> memref<128x128xf32, #tpu.memory_space<vmem>>
    %dma_start3A_23 = arith.constant 0 : i32
    %dma_start3A_24 = tpu.memref_slice %arg5[%rem3A_10, %rem3A_7, %dma_start3A, %dma_start3A_23] : memref<2x8x2x128xi32, #tpu.memory_space<vmem>> -> memref<1x1x1x128xi32, #tpu.memory_space<vmem>>
    %dma_start3A_25 = tpu.memref_squeeze %dma_start3A_24 : memref<1x1x1x128xi32, #tpu.memory_space<vmem>> -> memref<128xi32, #tpu.memory_space<vmem>>
    %dma_start3A_26 = arith.constant 0 : i32
    %dma_start3A_27 = arith.constant 0 : i32
    %dma_start3A_28 = tpu.memref_slice %arg2[%dma_start3A_26, %dma_start3A_27] : memref<20000x128xf32, #tpu.memory_space<hbm>> -> memref<20000x128xf32, #tpu.memory_space<hbm>>
    %dma_start3A_29 = tpu.memref_slice %arg8[%rem3A_18] : memref<2x!tpu.dma_semaphore, #tpu.memory_space<semaphore_mem>> -> memref<1x!tpu.dma_semaphore, #tpu.memory_space<semaphore_mem>>
    %dma_start3A_30 = tpu.memref_squeeze %dma_start3A_29 : memref<1x!tpu.dma_semaphore, #tpu.memory_space<semaphore_mem>> -> memref<!tpu.dma_semaphore, #tpu.memory_space<semaphore_mem>>
    tpu.enqueue_indirect_dma source(%dma_start3A_28 : memref<20000x128xf32, #tpu.memory_space<hbm>>) target(%dma_start3A_22 : memref<128x128xf32, #tpu.memory_space<vmem>>) offsets(%dma_start3A_25 : memref<128xi32, #tpu.memory_space<vmem>>) semaphore(%dma_start3A_30 : memref<!tpu.dma_semaphore, #tpu.memory_space<semaphore_mem>>)
    %barrier3A = arith.constant 0 : index
    tpu.barrier barrier_id(%barrier3A)
    %scan3A = arith.constant 0 : i32
    %scan3A_31 = arith.constant 0 : i32
    %scan3A_32 = arith.constant 80 : i32
    %scan3A_33 = arith.addi %scan3A_31, %scan3A_32 : i32
    %scan3A_34 = arith.constant 1 : i32
    %scan3A_35 = scf.for %scan3A_48 = %scan3A_31 to %scan3A_33 step %scan3A_34 iter_args(%scan3A_49 = %scan3A) -> (i32)  : i32 {
      %add3A = arith.constant 1 : i32
      %add3A_50 = arith.addi %scan3A_48, %add3A : i32
      %lt3A_51 = arith.constant 80 : i32
      %lt3A_52 = arith.cmpi slt, %add3A_50, %lt3A_51 : i32
      %convert_element_type3A_53 = arith.extui %lt3A_52 : i1 to i32
      %cond3A_54 = arith.constant 0 : i32
      %cond3A_55 = arith.cmpi ne, %convert_element_type3A_53, %cond3A_54 : i32
      scf.if %cond3A_55 {
        %jit3A_95 = arith.constant 8 : i32
        %div3A_96 = arith.divsi %add3A_50, %jit3A_95 : i32
        %sign3A_97 = arith.constant 0 : i32
        %sign3A_98 = arith.cmpi sgt, %add3A_50, %sign3A_97 : i32
        %sign3A_99 = arith.extui %sign3A_98 : i1 to i32
        %sign3A_100 = arith.constant 0 : i32
        %sign3A_101 = arith.cmpi slt, %add3A_50, %sign3A_100 : i32
        %sign3A_102 = arith.extui %sign3A_101 : i1 to i32
        %sign3A_103 = arith.subi %sign3A_99, %sign3A_102 : i32
        %sign3A_104 = arith.constant 0 : i32
        %sign3A_105 = arith.cmpi sgt, %jit3A_95, %sign3A_104 : i32
        %sign3A_106 = arith.extui %sign3A_105 : i1 to i32
        %sign3A_107 = arith.constant 0 : i32
        %sign3A_108 = arith.cmpi slt, %jit3A_95, %sign3A_107 : i32
        %sign3A_109 = arith.extui %sign3A_108 : i1 to i32
        %sign3A_110 = arith.subi %sign3A_106, %sign3A_109 : i32
        %ne3A_111 = arith.cmpi ne, %sign3A_103, %sign3A_110 : i32
        %rem3A_112 = arith.remsi %add3A_50, %jit3A_95 : i32
        %ne3A_113 = arith.constant 0 : i32
        %ne3A_114 = arith.cmpi ne, %rem3A_112, %ne3A_113 : i32
        %and3A_115 = arith.andi %ne3A_111, %ne3A_114 : i1
        %sub3A_116 = arith.constant 1 : i32
        %sub3A_117 = arith.subi %div3A_96, %sub3A_116 : i32
        %select_n3A_118 = arith.select %and3A_115, %sub3A_117, %div3A_96 : i32
        %rem3A_119 = arith.constant 8 : i32
        %rem3A_120 = arith.remsi %add3A_50, %rem3A_119 : i32
        %rem3A_121 = arith.constant 2 : i32
        %rem3A_122 = arith.remsi %select_n3A_118, %rem3A_121 : i32
        %eq3A_123 = arith.constant 0 : i32
        %eq3A_124 = arith.cmpi eq, %rem3A_120, %eq3A_123 : i32
        %convert_element_type3A_125 = arith.extui %eq3A_124 : i1 to i32
        %cond3A_126 = arith.constant 0 : i32
        %cond3A_127 = arith.cmpi ne, %convert_element_type3A_125, %cond3A_126 : i32
        scf.if %cond3A_127 {
          %mul3A = arith.constant 10 : i32
          %mul3A_143 = arith.muli %arg1, %mul3A : i32
          %add3A_144 = arith.addi %mul3A_143, %select_n3A_118 : i32
          "tpu.region"() ({
            %run_scoped3A_145 = tpu.sem_alloc : memref<!tpu.dma_semaphore, #tpu.memory_space<semaphore_mem>>
            %dma_start3A_146 = arith.constant 0 : i32
            %dma_start3A_147 = arith.constant 0 : i32
            %dma_start3A_148 = arith.constant 0 : i32
            %dma_start3A_149 = tpu.memref_slice %arg5[%rem3A_122, %dma_start3A_146, %dma_start3A_147, %dma_start3A_148] : memref<2x8x2x128xi32, #tpu.memory_space<vmem>> -> memref<1x8x2x128xi32, #tpu.memory_space<vmem>>
            %dma_start3A_150 = tpu.memref_squeeze %dma_start3A_149 : memref<1x8x2x128xi32, #tpu.memory_space<vmem>> -> memref<8x2x128xi32, #tpu.memory_space<vmem>>
            %dma_start3A_151 = arith.constant 0 : i32
            %dma_start3A_152 = arith.constant 0 : i32
            %dma_start3A_153 = arith.constant 0 : i32
            %dma_start3A_154 = tpu.memref_slice %arg3[%arg0, %add3A_144, %dma_start3A_151, %dma_start3A_152, %dma_start3A_153] : memref<2x160x8x2x128xi32, #tpu.memory_space<hbm>> -> memref<1x1x8x2x128xi32, #tpu.memory_space<hbm>>
            %dma_start3A_155 = tpu.memref_squeeze %dma_start3A_154 : memref<1x1x8x2x128xi32, #tpu.memory_space<hbm>> -> memref<8x2x128xi32, #tpu.memory_space<hbm>>
            %dma_start3A_156 = arith.constant 0 : i32
            %dma_start3A_157 = arith.constant 0 : i32
            %dma_start3A_158 = arith.constant 0 : i32
            %dma_start3A_159 = tpu.memref_slice %arg5[%rem3A_122, %dma_start3A_156, %dma_start3A_157, %dma_start3A_158] : memref<2x8x2x128xi32, #tpu.memory_space<vmem>> -> memref<1x8x2x128xi32, #tpu.memory_space<vmem>>
            %dma_start3A_160 = tpu.memref_squeeze %dma_start3A_159 : memref<1x8x2x128xi32, #tpu.memory_space<vmem>> -> memref<8x2x128xi32, #tpu.memory_space<vmem>>
            %dma_start3A_161 = arith.constant 0 : i32
            %dma_start3A_162 = arith.constant 0 : i32
            %dma_start3A_163 = arith.constant 0 : i32
            %dma_start3A_164 = tpu.memref_slice %arg3[%arg0, %add3A_144, %dma_start3A_161, %dma_start3A_162, %dma_start3A_163] : memref<2x160x8x2x128xi32, #tpu.memory_space<hbm>> -> memref<1x1x8x2x128xi32, #tpu.memory_space<hbm>>
            %dma_start3A_165 = tpu.memref_squeeze %dma_start3A_164 : memref<1x1x8x2x128xi32, #tpu.memory_space<hbm>> -> memref<8x2x128xi32, #tpu.memory_space<hbm>>
            tpu.enqueue_dma source(%dma_start3A_165 : memref<8x2x128xi32, #tpu.memory_space<hbm>>) target(%dma_start3A_160 : memref<8x2x128xi32, #tpu.memory_space<vmem>>) target_semaphore(%run_scoped3A_145 : memref<!tpu.dma_semaphore, #tpu.memory_space<semaphore_mem>>)
            %dma_wait3A_166 = arith.constant 0 : i32
            %dma_wait3A_167 = arith.constant 0 : i32
            %dma_wait3A_168 = arith.constant 0 : i32
            %dma_wait3A_169 = tpu.memref_slice %arg5[%rem3A_122, %dma_wait3A_166, %dma_wait3A_167, %dma_wait3A_168] : memref<2x8x2x128xi32, #tpu.memory_space<vmem>> -> memref<1x8x2x128xi32, #tpu.memory_space<vmem>>
            %dma_wait3A_170 = tpu.memref_squeeze %dma_wait3A_169 : memref<1x8x2x128xi32, #tpu.memory_space<vmem>> -> memref<8x2x128xi32, #tpu.memory_space<vmem>>
            %dma_wait3A_171 = arith.constant 0 : i32
            %dma_wait3A_172 = arith.constant 0 : i32
            %dma_wait3A_173 = arith.constant 0 : i32
            %dma_wait3A_174 = tpu.memref_slice %arg3[%arg0, %add3A_144, %dma_wait3A_171, %dma_wait3A_172, %dma_wait3A_173] : memref<2x160x8x2x128xi32, #tpu.memory_space<hbm>> -> memref<1x1x8x2x128xi32, #tpu.memory_space<hbm>>
            %dma_wait3A_175 = tpu.memref_squeeze %dma_wait3A_174 : memref<1x1x8x2x128xi32, #tpu.memory_space<hbm>> -> memref<8x2x128xi32, #tpu.memory_space<hbm>>
            %dma_wait3A_176 = arith.constant 0 : i32
            %dma_wait3A_177 = arith.constant 0 : i32
            %dma_wait3A_178 = arith.constant 0 : i32
            %dma_wait3A_179 = tpu.memref_slice %arg5[%rem3A_122, %dma_wait3A_176, %dma_wait3A_177, %dma_wait3A_178] : memref<2x8x2x128xi32, #tpu.memory_space<vmem>> -> memref<1x8x2x128xi32, #tpu.memory_space<vmem>>
            %dma_wait3A_180 = tpu.memref_squeeze %dma_wait3A_179 : memref<1x8x2x128xi32, #tpu.memory_space<vmem>> -> memref<8x2x128xi32, #tpu.memory_space<vmem>>
            %dma_wait3A_181 = arith.constant 0 : i32
            %dma_wait3A_182 = arith.constant 0 : i32
            %dma_wait3A_183 = arith.constant 0 : i32
            %dma_wait3A_184 = tpu.memref_slice %arg3[%arg0, %add3A_144, %dma_wait3A_181, %dma_wait3A_182, %dma_wait3A_183] : memref<2x160x8x2x128xi32, #tpu.memory_space<hbm>> -> memref<1x1x8x2x128xi32, #tpu.memory_space<hbm>>
            %dma_wait3A_185 = tpu.memref_squeeze %dma_wait3A_184 : memref<1x1x8x2x128xi32, #tpu.memory_space<hbm>> -> memref<8x2x128xi32, #tpu.memory_space<hbm>>
            tpu.wait_dma2 semaphore(%run_scoped3A_145 : memref<!tpu.dma_semaphore, #tpu.memory_space<semaphore_mem>>) src(%dma_wait3A_185 : memref<8x2x128xi32, #tpu.memory_space<hbm>>) dst(%dma_wait3A_180 : memref<8x2x128xi32, #tpu.memory_space<vmem>>)
            tpu.yield
          }) : () -> ()
        } else {
        }
        %rem3A_128 = arith.constant 2 : i32
        %rem3A_129 = arith.remsi %add3A_50, %rem3A_128 : i32
        %dma_start3A_130 = arith.constant 0 : i32
        %dma_start3A_131 = arith.constant 0 : i32
        %dma_start3A_132 = arith.constant 0 : i32
        %dma_start3A_133 = tpu.memref_slice %arg6[%rem3A_129, %dma_start3A_131, %dma_start3A_132] : memref<2x128x128xf32, #tpu.memory_space<vmem>> -> memref<1x128x128xf32, #tpu.memory_space<vmem>>
        %dma_start3A_134 = tpu.memref_squeeze %dma_start3A_133 : memref<1x128x128xf32, #tpu.memory_space<vmem>> -> memref<128x128xf32, #tpu.memory_space<vmem>>
        %dma_start3A_135 = arith.constant 0 : i32
        %dma_start3A_136 = tpu.memref_slice %arg5[%rem3A_122, %rem3A_120, %dma_start3A_130, %dma_start3A_135] : memref<2x8x2x128xi32, #tpu.memory_space<vmem>> -> memref<1x1x1x128xi32, #tpu.memory_space<vmem>>
        %dma_start3A_137 = tpu.memref_squeeze %dma_start3A_136 : memref<1x1x1x128xi32, #tpu.memory_space<vmem>> -> memref<128xi32, #tpu.memory_space<vmem>>
        %dma_start3A_138 = arith.constant 0 : i32
        %dma_start3A_139 = arith.constant 0 : i32
        %dma_start3A_140 = tpu.memref_slice %arg2[%dma_start3A_138, %dma_start3A_139] : memref<20000x128xf32, #tpu.memory_space<hbm>> -> memref<20000x128xf32, #tpu.memory_space<hbm>>
        %dma_start3A_141 = tpu.memref_slice %arg8[%rem3A_129] : memref<2x!tpu.dma_semaphore, #tpu.memory_space<semaphore_mem>> -> memref<1x!tpu.dma_semaphore, #tpu.memory_space<semaphore_mem>>
        %dma_start3A_142 = tpu.memref_squeeze %dma_start3A_141 : memref<1x!tpu.dma_semaphore, #tpu.memory_space<semaphore_mem>> -> memref<!tpu.dma_semaphore, #tpu.memory_space<semaphore_mem>>
        tpu.enqueue_indirect_dma source(%dma_start3A_140 : memref<20000x128xf32, #tpu.memory_space<hbm>>) target(%dma_start3A_134 : memref<128x128xf32, #tpu.memory_space<vmem>>) offsets(%dma_start3A_137 : memref<128xi32, #tpu.memory_space<vmem>>) semaphore(%dma_start3A_142 : memref<!tpu.dma_semaphore, #tpu.memory_space<semaphore_mem>>)
      } else {
      }
      %rem3A_56 = arith.constant 2 : i32
      %rem3A_57 = arith.remsi %scan3A_48, %rem3A_56 : i32
      %dma_wait3A = arith.constant 0 : i32
      %dma_wait3A_58 = arith.constant 0 : i32
      %dma_wait3A_59 = tpu.memref_slice %arg6[%rem3A_57, %dma_wait3A, %dma_wait3A_58] : memref<2x128x128xf32, #tpu.memory_space<vmem>> -> memref<1x128x128xf32, #tpu.memory_space<vmem>>
      %dma_wait3A_60 = tpu.memref_squeeze %dma_wait3A_59 : memref<1x128x128xf32, #tpu.memory_space<vmem>> -> memref<128x128xf32, #tpu.memory_space<vmem>>
      %dma_wait3A_61 = arith.constant 0 : i32
      %dma_wait3A_62 = arith.constant 0 : i32
      %dma_wait3A_63 = tpu.memref_slice %arg2[%dma_wait3A_61, %dma_wait3A_62] : memref<20000x128xf32, #tpu.memory_space<hbm>> -> memref<128x128xf32, #tpu.memory_space<hbm>>
      %dma_wait3A_64 = tpu.memref_slice %arg8[%rem3A_57] : memref<2x!tpu.dma_semaphore, #tpu.memory_space<semaphore_mem>> -> memref<1x!tpu.dma_semaphore, #tpu.memory_space<semaphore_mem>>
      %dma_wait3A_65 = tpu.memref_squeeze %dma_wait3A_64 : memref<1x!tpu.dma_semaphore, #tpu.memory_space<semaphore_mem>> -> memref<!tpu.dma_semaphore, #tpu.memory_space<semaphore_mem>>
      %dma_wait3A_66 = arith.constant 0 : i32
      %dma_wait3A_67 = arith.constant 0 : i32
      %dma_wait3A_68 = tpu.memref_slice %arg6[%rem3A_57, %dma_wait3A_66, %dma_wait3A_67] : memref<2x128x128xf32, #tpu.memory_space<vmem>> -> memref<1x128x128xf32, #tpu.memory_space<vmem>>
      %dma_wait3A_69 = tpu.memref_squeeze %dma_wait3A_68 : memref<1x128x128xf32, #tpu.memory_space<vmem>> -> memref<128x128xf32, #tpu.memory_space<vmem>>
      %dma_wait3A_70 = arith.constant 0 : i32
      %dma_wait3A_71 = arith.constant 0 : i32
      %dma_wait3A_72 = tpu.memref_slice %arg2[%dma_wait3A_70, %dma_wait3A_71] : memref<20000x128xf32, #tpu.memory_space<hbm>> -> memref<128x128xf32, #tpu.memory_space<hbm>>
      tpu.wait_dma2 semaphore(%dma_wait3A_65 : memref<!tpu.dma_semaphore, #tpu.memory_space<semaphore_mem>>) src(%dma_wait3A_72 : memref<128x128xf32, #tpu.memory_space<hbm>>) dst(%dma_wait3A_69 : memref<128x128xf32, #tpu.memory_space<vmem>>)
      %jit3A = arith.constant 8 : i32
      %div3A = arith.divsi %scan3A_48, %jit3A : i32
      %sign3A = arith.constant 0 : i32
      %sign3A_73 = arith.cmpi sgt, %scan3A_48, %sign3A : i32
      %sign3A_74 = arith.extui %sign3A_73 : i1 to i32
      %sign3A_75 = arith.constant 0 : i32
      %sign3A_76 = arith.cmpi slt, %scan3A_48, %sign3A_75 : i32
      %sign3A_77 = arith.extui %sign3A_76 : i1 to i32
      %sign3A_78 = arith.subi %sign3A_74, %sign3A_77 : i32
      %sign3A_79 = arith.constant 0 : i32
      %sign3A_80 = arith.cmpi sgt, %jit3A, %sign3A_79 : i32
      %sign3A_81 = arith.extui %sign3A_80 : i1 to i32
      %sign3A_82 = arith.constant 0 : i32
      %sign3A_83 = arith.cmpi slt, %jit3A, %sign3A_82 : i32
      %sign3A_84 = arith.extui %sign3A_83 : i1 to i32
      %sign3A_85 = arith.subi %sign3A_81, %sign3A_84 : i32
      %ne3A = arith.cmpi ne, %sign3A_78, %sign3A_85 : i32
      %rem3A_86 = arith.remsi %scan3A_48, %jit3A : i32
      %ne3A_87 = arith.constant 0 : i32
      %ne3A_88 = arith.cmpi ne, %rem3A_86, %ne3A_87 : i32
      %and3A = arith.andi %ne3A, %ne3A_88 : i1
      %sub3A = arith.constant 1 : i32
      %sub3A_89 = arith.subi %div3A, %sub3A : i32
      %select_n3A = arith.select %and3A, %sub3A_89, %div3A : i32
      %rem3A_90 = arith.constant 8 : i32
      %rem3A_91 = arith.remsi %scan3A_48, %rem3A_90 : i32
      %rem3A_92 = arith.constant 2 : i32
      %rem3A_93 = arith.remsi %select_n3A, %rem3A_92 : i32
      %run_scoped3A = arith.constant 1 : i32
      "tpu.region"() ({
        %run_scoped3A_95 = tpu.sem_alloc : memref<!tpu.dma_semaphore, #tpu.memory_space<semaphore_mem>>
        %dma_start3A_96 = arith.constant 0 : i32
        %dma_start3A_97 = arith.constant 0 : i32
        %dma_start3A_98 = tpu.memref_slice %arg6[%rem3A_57, %dma_start3A_96, %dma_start3A_97] : memref<2x128x128xf32, #tpu.memory_space<vmem>> -> memref<1x128x128xf32, #tpu.memory_space<vmem>>
        %dma_start3A_99 = tpu.memref_squeeze %dma_start3A_98 : memref<1x128x128xf32, #tpu.memory_space<vmem>> -> memref<128x128xf32, #tpu.memory_space<vmem>>
        %dma_start3A_100 = arith.constant 0 : i32
        %dma_start3A_101 = tpu.memref_slice %arg5[%rem3A_93, %rem3A_91, %run_scoped3A, %dma_start3A_100] : memref<2x8x2x128xi32, #tpu.memory_space<vmem>> -> memref<1x1x1x128xi32, #tpu.memory_space<vmem>>
        %dma_start3A_102 = tpu.memref_squeeze %dma_start3A_101 : memref<1x1x1x128xi32, #tpu.memory_space<vmem>> -> memref<128xi32, #tpu.memory_space<vmem>>
        %dma_start3A_103 = arith.constant 0 : i32
        %dma_start3A_104 = arith.constant 0 : i32
        %dma_start3A_105 = tpu.memref_slice %arg7[%dma_start3A_103, %dma_start3A_104] : memref<10240x128xf32, #tpu.memory_space<vmem_shared>> -> memref<10240x128xf32, #tpu.memory_space<vmem_shared>>
        tpu.enqueue_indirect_dma source(%dma_start3A_99 : memref<128x128xf32, #tpu.memory_space<vmem>>) target(%dma_start3A_105 : memref<10240x128xf32, #tpu.memory_space<vmem_shared>>) offsets(%dma_start3A_102 : memref<128xi32, #tpu.memory_space<vmem>>) semaphore(%run_scoped3A_95 : memref<!tpu.dma_semaphore, #tpu.memory_space<semaphore_mem>>) {add = true}
        %dma_wait3A_106 = arith.constant 0 : i32
        %dma_wait3A_107 = arith.constant 0 : i32
        %dma_wait3A_108 = tpu.memref_slice %arg6[%rem3A_57, %dma_wait3A_106, %dma_wait3A_107] : memref<2x128x128xf32, #tpu.memory_space<vmem>> -> memref<1x128x128xf32, #tpu.memory_space<vmem>>
        %dma_wait3A_109 = tpu.memref_squeeze %dma_wait3A_108 : memref<1x128x128xf32, #tpu.memory_space<vmem>> -> memref<128x128xf32, #tpu.memory_space<vmem>>
        %dma_wait3A_110 = arith.constant 0 : i32
        %dma_wait3A_111 = tpu.memref_slice %arg5[%rem3A_93, %rem3A_91, %run_scoped3A, %dma_wait3A_110] : memref<2x8x2x128xi32, #tpu.memory_space<vmem>> -> memref<1x1x1x128xi32, #tpu.memory_space<vmem>>
        %dma_wait3A_112 = tpu.memref_squeeze %dma_wait3A_111 : memref<1x1x1x128xi32, #tpu.memory_space<vmem>> -> memref<128xi32, #tpu.memory_space<vmem>>
        %dma_wait3A_113 = arith.constant 0 : i32
        %dma_wait3A_114 = arith.constant 0 : i32
        %dma_wait3A_115 = tpu.memref_slice %arg7[%dma_wait3A_113, %dma_wait3A_114] : memref<10240x128xf32, #tpu.memory_space<vmem_shared>> -> memref<10240x128xf32, #tpu.memory_space<vmem_shared>>
        tpu.wait_indirect_dma semaphore(%run_scoped3A_95 : memref<!tpu.dma_semaphore, #tpu.memory_space<semaphore_mem>>) src(%dma_wait3A_109 : memref<128x128xf32, #tpu.memory_space<vmem>>) dst(%dma_wait3A_115 : memref<10240x128xf32, #tpu.memory_space<vmem_shared>>)
        tpu.yield
      }) : () -> ()
      %scan3A_94 = arith.constant 0 : i32
      scf.yield %scan3A_94 : i32
    }
    %scan3A_36 = arith.constant 80 : i32
    %barrier3A_37 = arith.constant 0 : index
    tpu.barrier barrier_id(%barrier3A_37)
    %lt3A_38 = arith.constant 15 : i32
    %lt3A_39 = arith.cmpi slt, %arg1, %lt3A_38 : i32
    %convert_element_type3A_40 = arith.extui %lt3A_39 : i1 to i32
    %cond3A_41 = arith.constant 0 : i32
    %cond3A_42 = arith.cmpi ne, %convert_element_type3A_40, %cond3A_41 : i32
    scf.if %cond3A_42 {
      %mul3A = arith.constant 640 : i32
      %mul3A_48 = arith.muli %arg1, %mul3A : i32
      %mul3A_49 = arith.constant 640 : i32
      %mul3A_50 = arith.muli %arg1, %mul3A_49 : i32
      "tpu.region"() ({
        %run_scoped3A = tpu.sem_alloc : memref<!tpu.dma_semaphore, #tpu.memory_space<semaphore_mem>>
        %dma_start3A_51 = arith.constant 0 : i32
        %dma_start3A_52 = tpu.memref_slice %arg4[%arg0, %mul3A_50, %dma_start3A_51] : memref<2x10000x128xf32, #tpu.memory_space<hbm>> -> memref<1x640x128xf32, #tpu.memory_space<hbm>>
        %dma_start3A_53 = tpu.memref_squeeze %dma_start3A_52 : memref<1x640x128xf32, #tpu.memory_space<hbm>> -> memref<640x128xf32, #tpu.memory_space<hbm>>
        %dma_start3A_54 = arith.constant 0 : i32
        %dma_start3A_55 = tpu.memref_slice %arg7[%mul3A_48, %dma_start3A_54] : memref<10240x128xf32, #tpu.memory_space<vmem_shared>> -> memref<640x128xf32, #tpu.memory_space<vmem_shared>>
        tpu.enqueue_dma source(%dma_start3A_55 : memref<640x128xf32, #tpu.memory_space<vmem_shared>>) target(%dma_start3A_53 : memref<640x128xf32, #tpu.memory_space<hbm>>) target_semaphore(%run_scoped3A : memref<!tpu.dma_semaphore, #tpu.memory_space<semaphore_mem>>)
        %dma_wait3A = arith.constant 0 : i32
        %dma_wait3A_56 = tpu.memref_slice %arg4[%arg0, %mul3A_50, %dma_wait3A] : memref<2x10000x128xf32, #tpu.memory_space<hbm>> -> memref<1x640x128xf32, #tpu.memory_space<hbm>>
        %dma_wait3A_57 = tpu.memref_squeeze %dma_wait3A_56 : memref<1x640x128xf32, #tpu.memory_space<hbm>> -> memref<640x128xf32, #tpu.memory_space<hbm>>
        %dma_wait3A_58 = arith.constant 0 : i32
        %dma_wait3A_59 = tpu.memref_slice %arg7[%mul3A_48, %dma_wait3A_58] : memref<10240x128xf32, #tpu.memory_space<vmem_shared>> -> memref<640x128xf32, #tpu.memory_space<vmem_shared>>
        tpu.wait_dma2 semaphore(%run_scoped3A : memref<!tpu.dma_semaphore, #tpu.memory_space<semaphore_mem>>) src(%dma_wait3A_59 : memref<640x128xf32, #tpu.memory_space<vmem_shared>>) dst(%dma_wait3A_57 : memref<640x128xf32, #tpu.memory_space<hbm>>)
        tpu.yield
      }) : () -> ()
    } else {
    }
    %eq3A_43 = arith.constant 15 : i32
    %eq3A_44 = arith.cmpi eq, %arg1, %eq3A_43 : i32
    %convert_element_type3A_45 = arith.extui %eq3A_44 : i1 to i32
    %cond3A_46 = arith.constant 0 : i32
    %cond3A_47 = arith.cmpi ne, %convert_element_type3A_45, %cond3A_46 : i32
    scf.if %cond3A_47 {
      %mul3A = arith.constant 640 : i32
      %mul3A_48 = arith.muli %arg1, %mul3A : i32
      %mul3A_49 = arith.constant 640 : i32
      %mul3A_50 = arith.muli %arg1, %mul3A_49 : i32
      "tpu.region"() ({
        %run_scoped3A = tpu.sem_alloc : memref<!tpu.dma_semaphore, #tpu.memory_space<semaphore_mem>>
        %dma_start3A_51 = arith.constant 0 : i32
        %dma_start3A_52 = tpu.memref_slice %arg4[%arg0, %mul3A_50, %dma_start3A_51] : memref<2x10000x128xf32, #tpu.memory_space<hbm>> -> memref<1x400x128xf32, #tpu.memory_space<hbm>>
        %dma_start3A_53 = tpu.memref_squeeze %dma_start3A_52 : memref<1x400x128xf32, #tpu.memory_space<hbm>> -> memref<400x128xf32, #tpu.memory_space<hbm>>
        %dma_start3A_54 = arith.constant 0 : i32
        %dma_start3A_55 = tpu.memref_slice %arg7[%mul3A_48, %dma_start3A_54] : memref<10240x128xf32, #tpu.memory_space<vmem_shared>> -> memref<400x128xf32, #tpu.memory_space<vmem_shared>>
        tpu.enqueue_dma source(%dma_start3A_55 : memref<400x128xf32, #tpu.memory_space<vmem_shared>>) target(%dma_start3A_53 : memref<400x128xf32, #tpu.memory_space<hbm>>) target_semaphore(%run_scoped3A : memref<!tpu.dma_semaphore, #tpu.memory_space<semaphore_mem>>)
        %dma_wait3A = arith.constant 0 : i32
        %dma_wait3A_56 = tpu.memref_slice %arg4[%arg0, %mul3A_50, %dma_wait3A] : memref<2x10000x128xf32, #tpu.memory_space<hbm>> -> memref<1x400x128xf32, #tpu.memory_space<hbm>>
        %dma_wait3A_57 = tpu.memref_squeeze %dma_wait3A_56 : memref<1x400x128xf32, #tpu.memory_space<hbm>> -> memref<400x128xf32, #tpu.memory_space<hbm>>
        %dma_wait3A_58 = arith.constant 0 : i32
        %dma_wait3A_59 = tpu.memref_slice %arg7[%mul3A_48, %dma_wait3A_58] : memref<10240x128xf32, #tpu.memory_space<vmem_shared>> -> memref<400x128xf32, #tpu.memory_space<vmem_shared>>
        tpu.wait_dma2 semaphore(%run_scoped3A : memref<!tpu.dma_semaphore, #tpu.memory_space<semaphore_mem>>) src(%dma_wait3A_59 : memref<400x128xf32, #tpu.memory_space<vmem_shared>>) dst(%dma_wait3A_57 : memref<400x128xf32, #tpu.memory_space<hbm>>)
        tpu.yield
      }) : () -> ()
    } else {
    }
    return
  }
}

#map = affine_map<(d0, d1) -> (0, 0)>
module attributes {stable_mosaic.version = 14 : i64} {
  func.func @_deg_body(%arg0: i32, %arg1: i32, %arg2: memref<1280x128xi32, #tpu.memory_space<hbm>>, %arg3: memref<2x10240xf32, #tpu.memory_space<hbm>>, %arg4: memref<2x128xi32, #tpu.memory_space<vmem>>, %arg5: memref<128xf32, #tpu.memory_space<vmem>>, %arg6: memref<640xf32, #tpu.memory_space<vmem>>, %arg7: memref<10240xf32, #tpu.memory_space<vmem_shared>>) attributes {dimension_semantics = [#tpu.dimension_semantics<core_parallel>, #tpu.dimension_semantics<subcore_parallel>], iteration_bounds = array<i64: 2, 16>, scalar_prefetch = 0 : i64, scratch_operands = 4 : i64, tpu.core_type = #tpu.core_type<sc_vector_subcore>, window_params = [{transform_indices = #map}, {transform_indices = #map}]} {
    %broadcast_in_dim3A = arith.constant 1.000000e+00 : f32
    %broadcast_in_dim3A_0 = vector.broadcast %broadcast_in_dim3A : f32 to vector<16xf32>
    %swap3A = arith.constant 0 : index
    %swap3A_1 = tpu.vector_load %arg5[%swap3A] {strides = array<i32>} : memref<128xf32, #tpu.memory_space<vmem>>, vector<16xf32>,
    %swap3A_2 = vector.shape_cast %swap3A_1 : vector<16xf32> to vector<16xf32>
    %swap3A_3 = vector.shape_cast %broadcast_in_dim3A_0 : vector<16xf32> to vector<16xf32>
    tpu.vector_store %arg5[%swap3A], %swap3A_3 {strides = array<i32>} : memref<128xf32, #tpu.memory_space<vmem>>, vector<16xf32>,
    %broadcast_in_dim3A_4 = arith.constant 1.000000e+00 : f32
    %broadcast_in_dim3A_5 = vector.broadcast %broadcast_in_dim3A_4 : f32 to vector<16xf32>
    %swap3A_6 = arith.constant 16 : index
    %swap3A_7 = tpu.vector_load %arg5[%swap3A_6] {strides = array<i32>} : memref<128xf32, #tpu.memory_space<vmem>>, vector<16xf32>,
    %swap3A_8 = vector.shape_cast %swap3A_7 : vector<16xf32> to vector<16xf32>
    %swap3A_9 = vector.shape_cast %broadcast_in_dim3A_5 : vector<16xf32> to vector<16xf32>
    tpu.vector_store %arg5[%swap3A_6], %swap3A_9 {strides = array<i32>} : memref<128xf32, #tpu.memory_space<vmem>>, vector<16xf32>,
    %broadcast_in_dim3A_10 = arith.constant 1.000000e+00 : f32
    %broadcast_in_dim3A_11 = vector.broadcast %broadcast_in_dim3A_10 : f32 to vector<16xf32>
    %swap3A_12 = arith.constant 32 : index
    %swap3A_13 = tpu.vector_load %arg5[%swap3A_12] {strides = array<i32>} : memref<128xf32, #tpu.memory_space<vmem>>, vector<16xf32>,
    %swap3A_14 = vector.shape_cast %swap3A_13 : vector<16xf32> to vector<16xf32>
    %swap3A_15 = vector.shape_cast %broadcast_in_dim3A_11 : vector<16xf32> to vector<16xf32>
    tpu.vector_store %arg5[%swap3A_12], %swap3A_15 {strides = array<i32>} : memref<128xf32, #tpu.memory_space<vmem>>, vector<16xf32>,
    %broadcast_in_dim3A_16 = arith.constant 1.000000e+00 : f32
    %broadcast_in_dim3A_17 = vector.broadcast %broadcast_in_dim3A_16 : f32 to vector<16xf32>
    %swap3A_18 = arith.constant 48 : index
    %swap3A_19 = tpu.vector_load %arg5[%swap3A_18] {strides = array<i32>} : memref<128xf32, #tpu.memory_space<vmem>>, vector<16xf32>,
    %swap3A_20 = vector.shape_cast %swap3A_19 : vector<16xf32> to vector<16xf32>
    %swap3A_21 = vector.shape_cast %broadcast_in_dim3A_17 : vector<16xf32> to vector<16xf32>
    tpu.vector_store %arg5[%swap3A_18], %swap3A_21 {strides = array<i32>} : memref<128xf32, #tpu.memory_space<vmem>>, vector<16xf32>,
    %broadcast_in_dim3A_22 = arith.constant 1.000000e+00 : f32
    %broadcast_in_dim3A_23 = vector.broadcast %broadcast_in_dim3A_22 : f32 to vector<16xf32>
    %swap3A_24 = arith.constant 64 : index
    %swap3A_25 = tpu.vector_load %arg5[%swap3A_24] {strides = array<i32>} : memref<128xf32, #tpu.memory_space<vmem>>, vector<16xf32>,
    %swap3A_26 = vector.shape_cast %swap3A_25 : vector<16xf32> to vector<16xf32>
    %swap3A_27 = vector.shape_cast %broadcast_in_dim3A_23 : vector<16xf32> to vector<16xf32>
    tpu.vector_store %arg5[%swap3A_24], %swap3A_27 {strides = array<i32>} : memref<128xf32, #tpu.memory_space<vmem>>, vector<16xf32>,
    %broadcast_in_dim3A_28 = arith.constant 1.000000e+00 : f32
    %broadcast_in_dim3A_29 = vector.broadcast %broadcast_in_dim3A_28 : f32 to vector<16xf32>
    %swap3A_30 = arith.constant 80 : index
    %swap3A_31 = tpu.vector_load %arg5[%swap3A_30] {strides = array<i32>} : memref<128xf32, #tpu.memory_space<vmem>>, vector<16xf32>,
    %swap3A_32 = vector.shape_cast %swap3A_31 : vector<16xf32> to vector<16xf32>
    %swap3A_33 = vector.shape_cast %broadcast_in_dim3A_29 : vector<16xf32> to vector<16xf32>
    tpu.vector_store %arg5[%swap3A_30], %swap3A_33 {strides = array<i32>} : memref<128xf32, #tpu.memory_space<vmem>>, vector<16xf32>,
    %broadcast_in_dim3A_34 = arith.constant 1.000000e+00 : f32
    %broadcast_in_dim3A_35 = vector.broadcast %broadcast_in_dim3A_34 : f32 to vector<16xf32>
    %swap3A_36 = arith.constant 96 : index
    %swap3A_37 = tpu.vector_load %arg5[%swap3A_36] {strides = array<i32>} : memref<128xf32, #tpu.memory_space<vmem>>, vector<16xf32>,
    %swap3A_38 = vector.shape_cast %swap3A_37 : vector<16xf32> to vector<16xf32>
    %swap3A_39 = vector.shape_cast %broadcast_in_dim3A_35 : vector<16xf32> to vector<16xf32>
    tpu.vector_store %arg5[%swap3A_36], %swap3A_39 {strides = array<i32>} : memref<128xf32, #tpu.memory_space<vmem>>, vector<16xf32>,
    %broadcast_in_dim3A_40 = arith.constant 1.000000e+00 : f32
    %broadcast_in_dim3A_41 = vector.broadcast %broadcast_in_dim3A_40 : f32 to vector<16xf32>
    %swap3A_42 = arith.constant 112 : index
    %swap3A_43 = tpu.vector_load %arg5[%swap3A_42] {strides = array<i32>} : memref<128xf32, #tpu.memory_space<vmem>>, vector<16xf32>,
    %swap3A_44 = vector.shape_cast %swap3A_43 : vector<16xf32> to vector<16xf32>
    %swap3A_45 = vector.shape_cast %broadcast_in_dim3A_41 : vector<16xf32> to vector<16xf32>
    tpu.vector_store %arg5[%swap3A_42], %swap3A_45 {strides = array<i32>} : memref<128xf32, #tpu.memory_space<vmem>>, vector<16xf32>,
    %scan3A = arith.constant 0 : i32
    %scan3A_46 = arith.constant 0 : i32
    %scan3A_47 = arith.constant 40 : i32
    %scan3A_48 = arith.addi %scan3A_46, %scan3A_47 : i32
    %scan3A_49 = arith.constant 1 : i32
    %scan3A_50 = scf.for %scan3A_65 = %scan3A_46 to %scan3A_48 step %scan3A_49 iter_args(%scan3A_66 = %scan3A) -> (i32)  : i32 {
      %broadcast_in_dim3A_67 = arith.constant 0.000000e+00 : f32
      %broadcast_in_dim3A_68 = vector.broadcast %broadcast_in_dim3A_67 : f32 to vector<16xf32>
      %mul3A_69 = arith.constant 16 : i32
      %mul3A_70 = arith.muli %scan3A_65, %mul3A_69 : i32
      %swap3A_71 = arith.index_cast %mul3A_70 : i32 to index
      %swap3A_72 = tpu.vector_load %arg6[%swap3A_71] {strides = array<i32>} : memref<640xf32, #tpu.memory_space<vmem>>, vector<16xf32>,
      %swap3A_73 = vector.shape_cast %swap3A_72 : vector<16xf32> to vector<16xf32>
      %swap3A_74 = vector.shape_cast %broadcast_in_dim3A_68 : vector<16xf32> to vector<16xf32>
      tpu.vector_store %arg6[%swap3A_71], %swap3A_74 {strides = array<i32>} : memref<640xf32, #tpu.memory_space<vmem>>, vector<16xf32>,
      %scan3A_75 = arith.constant 0 : i32
      scf.yield %scan3A_75 : i32
    }
    %scan3A_51 = arith.constant 40 : i32
    %mul3A = arith.constant 640 : i32
    %mul3A_52 = arith.muli %arg1, %mul3A : i32
    "tpu.region"() ({
      %run_scoped3A = tpu.sem_alloc : memref<!tpu.dma_semaphore, #tpu.memory_space<semaphore_mem>>
      %dma_start3A = tpu.memref_slice %arg7[%mul3A_52] : memref<10240xf32, #tpu.memory_space<vmem_shared>> -> memref<640xf32, #tpu.memory_space<vmem_shared>>
      %dma_start3A_65 = tpu.memref_slice %arg7[%mul3A_52] : memref<10240xf32, #tpu.memory_space<vmem_shared>> -> memref<640xf32, #tpu.memory_space<vmem_shared>>
      tpu.enqueue_dma source(%arg6 : memref<640xf32, #tpu.memory_space<vmem>>) target(%dma_start3A_65 : memref<640xf32, #tpu.memory_space<vmem_shared>>) target_semaphore(%run_scoped3A : memref<!tpu.dma_semaphore, #tpu.memory_space<semaphore_mem>>)
      %dma_wait3A = tpu.memref_slice %arg7[%mul3A_52] : memref<10240xf32, #tpu.memory_space<vmem_shared>> -> memref<640xf32, #tpu.memory_space<vmem_shared>>
      %dma_wait3A_66 = tpu.memref_slice %arg7[%mul3A_52] : memref<10240xf32, #tpu.memory_space<vmem_shared>> -> memref<640xf32, #tpu.memory_space<vmem_shared>>
      tpu.wait_dma2 semaphore(%run_scoped3A : memref<!tpu.dma_semaphore, #tpu.memory_space<semaphore_mem>>) src(%arg6 : memref<640xf32, #tpu.memory_space<vmem>>) dst(%dma_wait3A_66 : memref<640xf32, #tpu.memory_space<vmem_shared>>)
      tpu.yield
    }) : () -> ()
    %barrier3A = arith.constant 0 : index
    tpu.barrier barrier_id(%barrier3A)
    %scan3A_53 = arith.constant 0 : i32
    %scan3A_54 = arith.constant 0 : i32
    %scan3A_55 = arith.constant 40 : i32
    %scan3A_56 = arith.addi %scan3A_54, %scan3A_55 : i32
    %scan3A_57 = arith.constant 1 : i32
    %scan3A_58 = scf.for %scan3A_65 = %scan3A_54 to %scan3A_56 step %scan3A_57 iter_args(%scan3A_66 = %scan3A_53) -> (i32)  : i32 {
      %mul3A_67 = arith.constant 640 : i32
      %mul3A_68 = arith.muli %arg0, %mul3A_67 : i32
      %mul3A_69 = arith.constant 40 : i32
      %mul3A_70 = arith.muli %arg1, %mul3A_69 : i32
      %add3A = arith.addi %mul3A_68, %mul3A_70 : i32
      %add3A_71 = arith.addi %add3A, %scan3A_65 : i32
      %run_scoped3A = arith.constant 0 : i32
      "tpu.region"() ({
        %run_scoped3A_74 = tpu.sem_alloc : memref<!tpu.dma_semaphore, #tpu.memory_space<semaphore_mem>>
        %dma_start3A = arith.constant 0 : i32
        %dma_start3A_75 = tpu.memref_slice %arg4[%run_scoped3A, %dma_start3A] : memref<2x128xi32, #tpu.memory_space<vmem>> -> memref<1x128xi32, #tpu.memory_space<vmem>>
        %dma_start3A_76 = tpu.memref_squeeze %dma_start3A_75 : memref<1x128xi32, #tpu.memory_space<vmem>> -> memref<128xi32, #tpu.memory_space<vmem>>
        %dma_start3A_77 = arith.constant 0 : i32
        %dma_start3A_78 = tpu.memref_slice %arg2[%add3A_71, %dma_start3A_77] : memref<1280x128xi32, #tpu.memory_space<hbm>> -> memref<1x128xi32, #tpu.memory_space<hbm>>
        %dma_start3A_79 = tpu.memref_squeeze %dma_start3A_78 : memref<1x128xi32, #tpu.memory_space<hbm>> -> memref<128xi32, #tpu.memory_space<hbm>>
        %dma_start3A_80 = arith.constant 0 : i32
        %dma_start3A_81 = tpu.memref_slice %arg4[%run_scoped3A, %dma_start3A_80] : memref<2x128xi32, #tpu.memory_space<vmem>> -> memref<1x128xi32, #tpu.memory_space<vmem>>
        %dma_start3A_82 = tpu.memref_squeeze %dma_start3A_81 : memref<1x128xi32, #tpu.memory_space<vmem>> -> memref<128xi32, #tpu.memory_space<vmem>>
        %dma_start3A_83 = arith.constant 0 : i32
        %dma_start3A_84 = tpu.memref_slice %arg2[%add3A_71, %dma_start3A_83] : memref<1280x128xi32, #tpu.memory_space<hbm>> -> memref<1x128xi32, #tpu.memory_space<hbm>>
        %dma_start3A_85 = tpu.memref_squeeze %dma_start3A_84 : memref<1x128xi32, #tpu.memory_space<hbm>> -> memref<128xi32, #tpu.memory_space<hbm>>
        tpu.enqueue_dma source(%dma_start3A_85 : memref<128xi32, #tpu.memory_space<hbm>>) target(%dma_start3A_82 : memref<128xi32, #tpu.memory_space<vmem>>) target_semaphore(%run_scoped3A_74 : memref<!tpu.dma_semaphore, #tpu.memory_space<semaphore_mem>>)
        %dma_wait3A = arith.constant 0 : i32
        %dma_wait3A_86 = tpu.memref_slice %arg4[%run_scoped3A, %dma_wait3A] : memref<2x128xi32, #tpu.memory_space<vmem>> -> memref<1x128xi32, #tpu.memory_space<vmem>>
        %dma_wait3A_87 = tpu.memref_squeeze %dma_wait3A_86 : memref<1x128xi32, #tpu.memory_space<vmem>> -> memref<128xi32, #tpu.memory_space<vmem>>
        %dma_wait3A_88 = arith.constant 0 : i32
        %dma_wait3A_89 = tpu.memref_slice %arg2[%add3A_71, %dma_wait3A_88] : memref<1280x128xi32, #tpu.memory_space<hbm>> -> memref<1x128xi32, #tpu.memory_space<hbm>>
        %dma_wait3A_90 = tpu.memref_squeeze %dma_wait3A_89 : memref<1x128xi32, #tpu.memory_space<hbm>> -> memref<128xi32, #tpu.memory_space<hbm>>
        %dma_wait3A_91 = arith.constant 0 : i32
        %dma_wait3A_92 = tpu.memref_slice %arg4[%run_scoped3A, %dma_wait3A_91] : memref<2x128xi32, #tpu.memory_space<vmem>> -> memref<1x128xi32, #tpu.memory_space<vmem>>
        %dma_wait3A_93 = tpu.memref_squeeze %dma_wait3A_92 : memref<1x128xi32, #tpu.memory_space<vmem>> -> memref<128xi32, #tpu.memory_space<vmem>>
        %dma_wait3A_94 = arith.constant 0 : i32
        %dma_wait3A_95 = tpu.memref_slice %arg2[%add3A_71, %dma_wait3A_94] : memref<1280x128xi32, #tpu.memory_space<hbm>> -> memref<1x128xi32, #tpu.memory_space<hbm>>
        %dma_wait3A_96 = tpu.memref_squeeze %dma_wait3A_95 : memref<1x128xi32, #tpu.memory_space<hbm>> -> memref<128xi32, #tpu.memory_space<hbm>>
        tpu.wait_dma2 semaphore(%run_scoped3A_74 : memref<!tpu.dma_semaphore, #tpu.memory_space<semaphore_mem>>) src(%dma_wait3A_96 : memref<128xi32, #tpu.memory_space<hbm>>) dst(%dma_wait3A_93 : memref<128xi32, #tpu.memory_space<vmem>>)
        tpu.yield
      }) : () -> ()
      %run_scoped3A_72 = arith.constant 0 : i32
      "tpu.region"() ({
        %run_scoped3A_74 = tpu.sem_alloc : memref<!tpu.dma_semaphore, #tpu.memory_space<semaphore_mem>>
        %dma_start3A = arith.constant 0 : i32
        %dma_start3A_75 = tpu.memref_slice %arg4[%run_scoped3A_72, %dma_start3A] : memref<2x128xi32, #tpu.memory_space<vmem>> -> memref<1x128xi32, #tpu.memory_space<vmem>>
        %dma_start3A_76 = tpu.memref_squeeze %dma_start3A_75 : memref<1x128xi32, #tpu.memory_space<vmem>> -> memref<128xi32, #tpu.memory_space<vmem>>
        %dma_start3A_77 = arith.constant 0 : i32
        %dma_start3A_78 = tpu.memref_slice %arg7[%dma_start3A_77] : memref<10240xf32, #tpu.memory_space<vmem_shared>> -> memref<10240xf32, #tpu.memory_space<vmem_shared>>
        tpu.enqueue_indirect_dma source(%arg5 : memref<128xf32, #tpu.memory_space<vmem>>) target(%dma_start3A_78 : memref<10240xf32, #tpu.memory_space<vmem_shared>>) offsets(%dma_start3A_76 : memref<128xi32, #tpu.memory_space<vmem>>) semaphore(%run_scoped3A_74 : memref<!tpu.dma_semaphore, #tpu.memory_space<semaphore_mem>>) {add = true}
        %dma_wait3A = arith.constant 0 : i32
        %dma_wait3A_79 = tpu.memref_slice %arg4[%run_scoped3A_72, %dma_wait3A] : memref<2x128xi32, #tpu.memory_space<vmem>> -> memref<1x128xi32, #tpu.memory_space<vmem>>
        %dma_wait3A_80 = tpu.memref_squeeze %dma_wait3A_79 : memref<1x128xi32, #tpu.memory_space<vmem>> -> memref<128xi32, #tpu.memory_space<vmem>>
        %dma_wait3A_81 = arith.constant 0 : i32
        %dma_wait3A_82 = tpu.memref_slice %arg7[%dma_wait3A_81] : memref<10240xf32, #tpu.memory_space<vmem_shared>> -> memref<10240xf32, #tpu.memory_space<vmem_shared>>
        tpu.wait_indirect_dma semaphore(%run_scoped3A_74 : memref<!tpu.dma_semaphore, #tpu.memory_space<semaphore_mem>>) src(%arg5 : memref<128xf32, #tpu.memory_space<vmem>>) dst(%dma_wait3A_82 : memref<10240xf32, #tpu.memory_space<vmem_shared>>)
        tpu.yield
      }) : () -> ()
      %scan3A_73 = arith.constant 0 : i32
      scf.yield %scan3A_73 : i32
    }
    %scan3A_59 = arith.constant 40 : i32
    %barrier3A_60 = arith.constant 0 : index
    tpu.barrier barrier_id(%barrier3A_60)
    %mul3A_61 = arith.constant 640 : i32
    %mul3A_62 = arith.muli %arg1, %mul3A_61 : i32
    %mul3A_63 = arith.constant 640 : i32
    %mul3A_64 = arith.muli %arg1, %mul3A_63 : i32
    "tpu.region"() ({
      %run_scoped3A = tpu.sem_alloc : memref<!tpu.dma_semaphore, #tpu.memory_space<semaphore_mem>>
      %dma_start3A = tpu.memref_slice %arg3[%arg0, %mul3A_64] : memref<2x10240xf32, #tpu.memory_space<hbm>> -> memref<1x640xf32, #tpu.memory_space<hbm>>
      %dma_start3A_65 = tpu.memref_squeeze %dma_start3A : memref<1x640xf32, #tpu.memory_space<hbm>> -> memref<640xf32, #tpu.memory_space<hbm>>
      %dma_start3A_66 = tpu.memref_slice %arg7[%mul3A_62] : memref<10240xf32, #tpu.memory_space<vmem_shared>> -> memref<640xf32, #tpu.memory_space<vmem_shared>>
      tpu.enqueue_dma source(%dma_start3A_66 : memref<640xf32, #tpu.memory_space<vmem_shared>>) target(%dma_start3A_65 : memref<640xf32, #tpu.memory_space<hbm>>) target_semaphore(%run_scoped3A : memref<!tpu.dma_semaphore, #tpu.memory_space<semaphore_mem>>)
      %dma_wait3A = tpu.memref_slice %arg3[%arg0, %mul3A_64] : memref<2x10240xf32, #tpu.memory_space<hbm>> -> memref<1x640xf32, #tpu.memory_space<hbm>>
      %dma_wait3A_67 = tpu.memref_squeeze %dma_wait3A : memref<1x640xf32, #tpu.memory_space<hbm>> -> memref<640xf32, #tpu.memory_space<hbm>>
      %dma_wait3A_68 = tpu.memref_slice %arg7[%mul3A_62] : memref<10240xf32, #tpu.memory_space<vmem_shared>> -> memref<640xf32, #tpu.memory_space<vmem_shared>>
      tpu.wait_dma2 semaphore(%run_scoped3A : memref<!tpu.dma_semaphore, #tpu.memory_space<semaphore_mem>>) src(%dma_wait3A_68 : memref<640xf32, #tpu.memory_space<vmem_shared>>) dst(%dma_wait3A_67 : memref<640xf32, #tpu.memory_space<hbm>>)
      tpu.yield
    }) : () -> ()
    return
  }
}

#map = affine_map<(d0, d1) -> (0, 0)>
#map1 = affine_map<(d0, d1) -> (0, 0, 0, 0, 0)>
#map2 = affine_map<(d0, d1) -> (0, 0, 0)>
module attributes {stable_mosaic.version = 14 : i64} {
  func.func @_agg_body(%arg0: i32, %arg1: i32, %arg2: memref<20000x128xf32, #tpu.memory_space<hbm>>, %arg3: memref<2x160x8x2x128xi32, #tpu.memory_space<hbm>>, %arg4: memref<2x10000x128xf32, #tpu.memory_space<hbm>>, %arg5: memref<2x8x2x128xi32, #tpu.memory_space<vmem>>, %arg6: memref<2x128x128xf32, #tpu.memory_space<vmem>>, %arg7: memref<10240x128xf32, #tpu.memory_space<vmem_shared>>, %arg8: memref<2x!tpu.dma_semaphore, #tpu.memory_space<semaphore_mem>>) attributes {dimension_semantics = [#tpu.dimension_semantics<core_parallel>, #tpu.dimension_semantics<subcore_parallel>], iteration_bounds = array<i64: 2, 16>, scalar_prefetch = 0 : i64, scratch_operands = 4 : i64, tpu.core_type = #tpu.core_type<sc_vector_subcore>, window_params = [{transform_indices = #map}, {transform_indices = #map1}, {transform_indices = #map2}]} {
    %lt3A = arith.constant 15 : i32
    %lt3A_0 = arith.cmpi slt, %arg1, %lt3A : i32
    %convert_element_type3A = arith.extui %lt3A_0 : i1 to i32
    %cond3A = arith.constant 0 : i32
    %cond3A_1 = arith.cmpi ne, %convert_element_type3A, %cond3A : i32
    scf.if %cond3A_1 {
      %mul3A = arith.constant 10000 : i32
      %mul3A_48 = arith.muli %arg0, %mul3A : i32
      %mul3A_49 = arith.constant 640 : i32
      %mul3A_50 = arith.muli %arg1, %mul3A_49 : i32
      %add3A = arith.addi %mul3A_48, %mul3A_50 : i32
      %mul3A_51 = arith.constant 640 : i32
      %mul3A_52 = arith.muli %arg1, %mul3A_51 : i32
      "tpu.region"() ({
        %run_scoped3A = tpu.sem_alloc : memref<!tpu.dma_semaphore, #tpu.memory_space<semaphore_mem>>
        %dma_start3A_53 = arith.constant 0 : i32
        %dma_start3A_54 = tpu.memref_slice %arg7[%mul3A_52, %dma_start3A_53] : memref<10240x128xf32, #tpu.memory_space<vmem_shared>> -> memref<640x128xf32, #tpu.memory_space<vmem_shared>>
        %dma_start3A_55 = arith.constant 0 : i32
        %dma_start3A_56 = tpu.memref_slice %arg2[%add3A, %dma_start3A_55] : memref<20000x128xf32, #tpu.memory_space<hbm>> -> memref<640x128xf32, #tpu.memory_space<hbm>>
        tpu.enqueue_dma source(%dma_start3A_56 : memref<640x128xf32, #tpu.memory_space<hbm>>) target(%dma_start3A_54 : memref<640x128xf32, #tpu.memory_space<vmem_shared>>) target_semaphore(%run_scoped3A : memref<!tpu.dma_semaphore, #tpu.memory_space<semaphore_mem>>)
        %dma_wait3A = arith.constant 0 : i32
        %dma_wait3A_57 = tpu.memref_slice %arg7[%mul3A_52, %dma_wait3A] : memref<10240x128xf32, #tpu.memory_space<vmem_shared>> -> memref<640x128xf32, #tpu.memory_space<vmem_shared>>
        %dma_wait3A_58 = arith.constant 0 : i32
        %dma_wait3A_59 = tpu.memref_slice %arg2[%add3A, %dma_wait3A_58] : memref<20000x128xf32, #tpu.memory_space<hbm>> -> memref<640x128xf32, #tpu.memory_space<hbm>>
        tpu.wait_dma2 semaphore(%run_scoped3A : memref<!tpu.dma_semaphore, #tpu.memory_space<semaphore_mem>>) src(%dma_wait3A_59 : memref<640x128xf32, #tpu.memory_space<hbm>>) dst(%dma_wait3A_57 : memref<640x128xf32, #tpu.memory_space<vmem_shared>>)
        tpu.yield
      }) : () -> ()
    } else {
    }
    %eq3A = arith.constant 15 : i32
    %eq3A_2 = arith.cmpi eq, %arg1, %eq3A : i32
    %convert_element_type3A_3 = arith.extui %eq3A_2 : i1 to i32
    %cond3A_4 = arith.constant 0 : i32
    %cond3A_5 = arith.cmpi ne, %convert_element_type3A_3, %cond3A_4 : i32
    scf.if %cond3A_5 {
      %mul3A = arith.constant 10000 : i32
      %mul3A_48 = arith.muli %arg0, %mul3A : i32
      %mul3A_49 = arith.constant 640 : i32
      %mul3A_50 = arith.muli %arg1, %mul3A_49 : i32
      %add3A = arith.addi %mul3A_48, %mul3A_50 : i32
      %mul3A_51 = arith.constant 640 : i32
      %mul3A_52 = arith.muli %arg1, %mul3A_51 : i32
      "tpu.region"() ({
        %run_scoped3A = tpu.sem_alloc : memref<!tpu.dma_semaphore, #tpu.memory_space<semaphore_mem>>
        %dma_start3A_53 = arith.constant 0 : i32
        %dma_start3A_54 = tpu.memref_slice %arg7[%mul3A_52, %dma_start3A_53] : memref<10240x128xf32, #tpu.memory_space<vmem_shared>> -> memref<400x128xf32, #tpu.memory_space<vmem_shared>>
        %dma_start3A_55 = arith.constant 0 : i32
        %dma_start3A_56 = tpu.memref_slice %arg2[%add3A, %dma_start3A_55] : memref<20000x128xf32, #tpu.memory_space<hbm>> -> memref<400x128xf32, #tpu.memory_space<hbm>>
        tpu.enqueue_dma source(%dma_start3A_56 : memref<400x128xf32, #tpu.memory_space<hbm>>) target(%dma_start3A_54 : memref<400x128xf32, #tpu.memory_space<vmem_shared>>) target_semaphore(%run_scoped3A : memref<!tpu.dma_semaphore, #tpu.memory_space<semaphore_mem>>)
        %dma_wait3A = arith.constant 0 : i32
        %dma_wait3A_57 = tpu.memref_slice %arg7[%mul3A_52, %dma_wait3A] : memref<10240x128xf32, #tpu.memory_space<vmem_shared>> -> memref<400x128xf32, #tpu.memory_space<vmem_shared>>
        %dma_wait3A_58 = arith.constant 0 : i32
        %dma_wait3A_59 = tpu.memref_slice %arg2[%add3A, %dma_wait3A_58] : memref<20000x128xf32, #tpu.memory_space<hbm>> -> memref<400x128xf32, #tpu.memory_space<hbm>>
        tpu.wait_dma2 semaphore(%run_scoped3A : memref<!tpu.dma_semaphore, #tpu.memory_space<semaphore_mem>>) src(%dma_wait3A_59 : memref<400x128xf32, #tpu.memory_space<hbm>>) dst(%dma_wait3A_57 : memref<400x128xf32, #tpu.memory_space<vmem_shared>>)
        tpu.yield
      }) : () -> ()
    } else {
    }
    %rem3A = arith.constant 0 : i32
    %rem3A_6 = arith.constant 8 : i32
    %rem3A_7 = arith.remsi %rem3A, %rem3A_6 : i32
    %rem3A_8 = arith.constant 0 : i32
    %rem3A_9 = arith.constant 2 : i32
    %rem3A_10 = arith.remsi %rem3A_8, %rem3A_9 : i32
    %eq3A_11 = arith.constant 0 : i32
    %eq3A_12 = arith.cmpi eq, %rem3A_7, %eq3A_11 : i32
    %convert_element_type3A_13 = arith.extui %eq3A_12 : i1 to i32
    %cond3A_14 = arith.constant 0 : i32
    %cond3A_15 = arith.cmpi ne, %convert_element_type3A_13, %cond3A_14 : i32
    scf.if %cond3A_15 {
      %mul3A = arith.constant 10 : i32
      %mul3A_48 = arith.muli %arg1, %mul3A : i32
      %add3A = arith.constant 0 : i32
      %add3A_49 = arith.addi %mul3A_48, %add3A : i32
      "tpu.region"() ({
        %run_scoped3A = tpu.sem_alloc : memref<!tpu.dma_semaphore, #tpu.memory_space<semaphore_mem>>
        %dma_start3A_50 = arith.constant 0 : i32
        %dma_start3A_51 = arith.constant 0 : i32
        %dma_start3A_52 = arith.constant 0 : i32
        %dma_start3A_53 = tpu.memref_slice %arg5[%rem3A_10, %dma_start3A_50, %dma_start3A_51, %dma_start3A_52] : memref<2x8x2x128xi32, #tpu.memory_space<vmem>> -> memref<1x8x2x128xi32, #tpu.memory_space<vmem>>
        %dma_start3A_54 = tpu.memref_squeeze %dma_start3A_53 : memref<1x8x2x128xi32, #tpu.memory_space<vmem>> -> memref<8x2x128xi32, #tpu.memory_space<vmem>>
        %dma_start3A_55 = arith.constant 0 : i32
        %dma_start3A_56 = arith.constant 0 : i32
        %dma_start3A_57 = arith.constant 0 : i32
        %dma_start3A_58 = tpu.memref_slice %arg3[%arg0, %add3A_49, %dma_start3A_55, %dma_start3A_56, %dma_start3A_57] : memref<2x160x8x2x128xi32, #tpu.memory_space<hbm>> -> memref<1x1x8x2x128xi32, #tpu.memory_space<hbm>>
        %dma_start3A_59 = tpu.memref_squeeze %dma_start3A_58 : memref<1x1x8x2x128xi32, #tpu.memory_space<hbm>> -> memref<8x2x128xi32, #tpu.memory_space<hbm>>
        %dma_start3A_60 = arith.constant 0 : i32
        %dma_start3A_61 = arith.constant 0 : i32
        %dma_start3A_62 = arith.constant 0 : i32
        %dma_start3A_63 = tpu.memref_slice %arg5[%rem3A_10, %dma_start3A_60, %dma_start3A_61, %dma_start3A_62] : memref<2x8x2x128xi32, #tpu.memory_space<vmem>> -> memref<1x8x2x128xi32, #tpu.memory_space<vmem>>
        %dma_start3A_64 = tpu.memref_squeeze %dma_start3A_63 : memref<1x8x2x128xi32, #tpu.memory_space<vmem>> -> memref<8x2x128xi32, #tpu.memory_space<vmem>>
        %dma_start3A_65 = arith.constant 0 : i32
        %dma_start3A_66 = arith.constant 0 : i32
        %dma_start3A_67 = arith.constant 0 : i32
        %dma_start3A_68 = tpu.memref_slice %arg3[%arg0, %add3A_49, %dma_start3A_65, %dma_start3A_66, %dma_start3A_67] : memref<2x160x8x2x128xi32, #tpu.memory_space<hbm>> -> memref<1x1x8x2x128xi32, #tpu.memory_space<hbm>>
        %dma_start3A_69 = tpu.memref_squeeze %dma_start3A_68 : memref<1x1x8x2x128xi32, #tpu.memory_space<hbm>> -> memref<8x2x128xi32, #tpu.memory_space<hbm>>
        tpu.enqueue_dma source(%dma_start3A_69 : memref<8x2x128xi32, #tpu.memory_space<hbm>>) target(%dma_start3A_64 : memref<8x2x128xi32, #tpu.memory_space<vmem>>) target_semaphore(%run_scoped3A : memref<!tpu.dma_semaphore, #tpu.memory_space<semaphore_mem>>)
        %dma_wait3A = arith.constant 0 : i32
        %dma_wait3A_70 = arith.constant 0 : i32
        %dma_wait3A_71 = arith.constant 0 : i32
        %dma_wait3A_72 = tpu.memref_slice %arg5[%rem3A_10, %dma_wait3A, %dma_wait3A_70, %dma_wait3A_71] : memref<2x8x2x128xi32, #tpu.memory_space<vmem>> -> memref<1x8x2x128xi32, #tpu.memory_space<vmem>>
        %dma_wait3A_73 = tpu.memref_squeeze %dma_wait3A_72 : memref<1x8x2x128xi32, #tpu.memory_space<vmem>> -> memref<8x2x128xi32, #tpu.memory_space<vmem>>
        %dma_wait3A_74 = arith.constant 0 : i32
        %dma_wait3A_75 = arith.constant 0 : i32
        %dma_wait3A_76 = arith.constant 0 : i32
        %dma_wait3A_77 = tpu.memref_slice %arg3[%arg0, %add3A_49, %dma_wait3A_74, %dma_wait3A_75, %dma_wait3A_76] : memref<2x160x8x2x128xi32, #tpu.memory_space<hbm>> -> memref<1x1x8x2x128xi32, #tpu.memory_space<hbm>>
        %dma_wait3A_78 = tpu.memref_squeeze %dma_wait3A_77 : memref<1x1x8x2x128xi32, #tpu.memory_space<hbm>> -> memref<8x2x128xi32, #tpu.memory_space<hbm>>
        %dma_wait3A_79 = arith.constant 0 : i32
        %dma_wait3A_80 = arith.constant 0 : i32
        %dma_wait3A_81 = arith.constant 0 : i32
        %dma_wait3A_82 = tpu.memref_slice %arg5[%rem3A_10, %dma_wait3A_79, %dma_wait3A_80, %dma_wait3A_81] : memref<2x8x2x128xi32, #tpu.memory_space<vmem>> -> memref<1x8x2x128xi32, #tpu.memory_space<vmem>>
        %dma_wait3A_83 = tpu.memref_squeeze %dma_wait3A_82 : memref<1x8x2x128xi32, #tpu.memory_space<vmem>> -> memref<8x2x128xi32, #tpu.memory_space<vmem>>
        %dma_wait3A_84 = arith.constant 0 : i32
        %dma_wait3A_85 = arith.constant 0 : i32
        %dma_wait3A_86 = arith.constant 0 : i32
        %dma_wait3A_87 = tpu.memref_slice %arg3[%arg0, %add3A_49, %dma_wait3A_84, %dma_wait3A_85, %dma_wait3A_86] : memref<2x160x8x2x128xi32, #tpu.memory_space<hbm>> -> memref<1x1x8x2x128xi32, #tpu.memory_space<hbm>>
        %dma_wait3A_88 = tpu.memref_squeeze %dma_wait3A_87 : memref<1x1x8x2x128xi32, #tpu.memory_space<hbm>> -> memref<8x2x128xi32, #tpu.memory_space<hbm>>
        tpu.wait_dma2 semaphore(%run_scoped3A : memref<!tpu.dma_semaphore, #tpu.memory_space<semaphore_mem>>) src(%dma_wait3A_88 : memref<8x2x128xi32, #tpu.memory_space<hbm>>) dst(%dma_wait3A_83 : memref<8x2x128xi32, #tpu.memory_space<vmem>>)
        tpu.yield
      }) : () -> ()
    } else {
    }
    %rem3A_16 = arith.constant 0 : i32
    %rem3A_17 = arith.constant 2 : i32
    %rem3A_18 = arith.remsi %rem3A_16, %rem3A_17 : i32
    %dma_start3A = arith.constant 0 : i32
    %dma_start3A_19 = arith.constant 0 : i32
    %dma_start3A_20 = arith.constant 0 : i32
    %dma_start3A_21 = tpu.memref_slice %arg6[%rem3A_18, %dma_start3A_19, %dma_start3A_20] : memref<2x128x128xf32, #tpu.memory_space<vmem>> -> memref<1x128x128xf32, #tpu.memory_space<vmem>>
    %dma_start3A_22 = tpu.memref_squeeze %dma_start3A_21 : memref<1x128x128xf32, #tpu.memory_space<vmem>> -> memref<128x128xf32, #tpu.memory_space<vmem>>
    %dma_start3A_23 = arith.constant 0 : i32
    %dma_start3A_24 = tpu.memref_slice %arg5[%rem3A_10, %rem3A_7, %dma_start3A, %dma_start3A_23] : memref<2x8x2x128xi32, #tpu.memory_space<vmem>> -> memref<1x1x1x128xi32, #tpu.memory_space<vmem>>
    %dma_start3A_25 = tpu.memref_squeeze %dma_start3A_24 : memref<1x1x1x128xi32, #tpu.memory_space<vmem>> -> memref<128xi32, #tpu.memory_space<vmem>>
    %dma_start3A_26 = arith.constant 0 : i32
    %dma_start3A_27 = arith.constant 0 : i32
    %dma_start3A_28 = tpu.memref_slice %arg2[%dma_start3A_26, %dma_start3A_27] : memref<20000x128xf32, #tpu.memory_space<hbm>> -> memref<20000x128xf32, #tpu.memory_space<hbm>>
    %dma_start3A_29 = tpu.memref_slice %arg8[%rem3A_18] : memref<2x!tpu.dma_semaphore, #tpu.memory_space<semaphore_mem>> -> memref<1x!tpu.dma_semaphore, #tpu.memory_space<semaphore_mem>>
    %dma_start3A_30 = tpu.memref_squeeze %dma_start3A_29 : memref<1x!tpu.dma_semaphore, #tpu.memory_space<semaphore_mem>> -> memref<!tpu.dma_semaphore, #tpu.memory_space<semaphore_mem>>
    tpu.enqueue_indirect_dma source(%dma_start3A_28 : memref<20000x128xf32, #tpu.memory_space<hbm>>) target(%dma_start3A_22 : memref<128x128xf32, #tpu.memory_space<vmem>>) offsets(%dma_start3A_25 : memref<128xi32, #tpu.memory_space<vmem>>) semaphore(%dma_start3A_30 : memref<!tpu.dma_semaphore, #tpu.memory_space<semaphore_mem>>)
    %barrier3A = arith.constant 0 : index
    tpu.barrier barrier_id(%barrier3A)
    %scan3A = arith.constant 0 : i32
    %scan3A_31 = arith.constant 0 : i32
    %scan3A_32 = arith.constant 80 : i32
    %scan3A_33 = arith.addi %scan3A_31, %scan3A_32 : i32
    %scan3A_34 = arith.constant 1 : i32
    %scan3A_35 = scf.for %scan3A_48 = %scan3A_31 to %scan3A_33 step %scan3A_34 iter_args(%scan3A_49 = %scan3A) -> (i32)  : i32 {
      %add3A = arith.constant 1 : i32
      %add3A_50 = arith.addi %scan3A_48, %add3A : i32
      %lt3A_51 = arith.constant 80 : i32
      %lt3A_52 = arith.cmpi slt, %add3A_50, %lt3A_51 : i32
      %convert_element_type3A_53 = arith.extui %lt3A_52 : i1 to i32
      %cond3A_54 = arith.constant 0 : i32
      %cond3A_55 = arith.cmpi ne, %convert_element_type3A_53, %cond3A_54 : i32
      scf.if %cond3A_55 {
        %jit3A_95 = arith.constant 8 : i32
        %div3A_96 = arith.divsi %add3A_50, %jit3A_95 : i32
        %sign3A_97 = arith.constant 0 : i32
        %sign3A_98 = arith.cmpi sgt, %add3A_50, %sign3A_97 : i32
        %sign3A_99 = arith.extui %sign3A_98 : i1 to i32
        %sign3A_100 = arith.constant 0 : i32
        %sign3A_101 = arith.cmpi slt, %add3A_50, %sign3A_100 : i32
        %sign3A_102 = arith.extui %sign3A_101 : i1 to i32
        %sign3A_103 = arith.subi %sign3A_99, %sign3A_102 : i32
        %sign3A_104 = arith.constant 0 : i32
        %sign3A_105 = arith.cmpi sgt, %jit3A_95, %sign3A_104 : i32
        %sign3A_106 = arith.extui %sign3A_105 : i1 to i32
        %sign3A_107 = arith.constant 0 : i32
        %sign3A_108 = arith.cmpi slt, %jit3A_95, %sign3A_107 : i32
        %sign3A_109 = arith.extui %sign3A_108 : i1 to i32
        %sign3A_110 = arith.subi %sign3A_106, %sign3A_109 : i32
        %ne3A_111 = arith.cmpi ne, %sign3A_103, %sign3A_110 : i32
        %rem3A_112 = arith.remsi %add3A_50, %jit3A_95 : i32
        %ne3A_113 = arith.constant 0 : i32
        %ne3A_114 = arith.cmpi ne, %rem3A_112, %ne3A_113 : i32
        %and3A_115 = arith.andi %ne3A_111, %ne3A_114 : i1
        %sub3A_116 = arith.constant 1 : i32
        %sub3A_117 = arith.subi %div3A_96, %sub3A_116 : i32
        %select_n3A_118 = arith.select %and3A_115, %sub3A_117, %div3A_96 : i32
        %rem3A_119 = arith.constant 8 : i32
        %rem3A_120 = arith.remsi %add3A_50, %rem3A_119 : i32
        %rem3A_121 = arith.constant 2 : i32
        %rem3A_122 = arith.remsi %select_n3A_118, %rem3A_121 : i32
        %eq3A_123 = arith.constant 0 : i32
        %eq3A_124 = arith.cmpi eq, %rem3A_120, %eq3A_123 : i32
        %convert_element_type3A_125 = arith.extui %eq3A_124 : i1 to i32
        %cond3A_126 = arith.constant 0 : i32
        %cond3A_127 = arith.cmpi ne, %convert_element_type3A_125, %cond3A_126 : i32
        scf.if %cond3A_127 {
          %mul3A = arith.constant 10 : i32
          %mul3A_143 = arith.muli %arg1, %mul3A : i32
          %add3A_144 = arith.addi %mul3A_143, %select_n3A_118 : i32
          "tpu.region"() ({
            %run_scoped3A_145 = tpu.sem_alloc : memref<!tpu.dma_semaphore, #tpu.memory_space<semaphore_mem>>
            %dma_start3A_146 = arith.constant 0 : i32
            %dma_start3A_147 = arith.constant 0 : i32
            %dma_start3A_148 = arith.constant 0 : i32
            %dma_start3A_149 = tpu.memref_slice %arg5[%rem3A_122, %dma_start3A_146, %dma_start3A_147, %dma_start3A_148] : memref<2x8x2x128xi32, #tpu.memory_space<vmem>> -> memref<1x8x2x128xi32, #tpu.memory_space<vmem>>
            %dma_start3A_150 = tpu.memref_squeeze %dma_start3A_149 : memref<1x8x2x128xi32, #tpu.memory_space<vmem>> -> memref<8x2x128xi32, #tpu.memory_space<vmem>>
            %dma_start3A_151 = arith.constant 0 : i32
            %dma_start3A_152 = arith.constant 0 : i32
            %dma_start3A_153 = arith.constant 0 : i32
            %dma_start3A_154 = tpu.memref_slice %arg3[%arg0, %add3A_144, %dma_start3A_151, %dma_start3A_152, %dma_start3A_153] : memref<2x160x8x2x128xi32, #tpu.memory_space<hbm>> -> memref<1x1x8x2x128xi32, #tpu.memory_space<hbm>>
            %dma_start3A_155 = tpu.memref_squeeze %dma_start3A_154 : memref<1x1x8x2x128xi32, #tpu.memory_space<hbm>> -> memref<8x2x128xi32, #tpu.memory_space<hbm>>
            %dma_start3A_156 = arith.constant 0 : i32
            %dma_start3A_157 = arith.constant 0 : i32
            %dma_start3A_158 = arith.constant 0 : i32
            %dma_start3A_159 = tpu.memref_slice %arg5[%rem3A_122, %dma_start3A_156, %dma_start3A_157, %dma_start3A_158] : memref<2x8x2x128xi32, #tpu.memory_space<vmem>> -> memref<1x8x2x128xi32, #tpu.memory_space<vmem>>
            %dma_start3A_160 = tpu.memref_squeeze %dma_start3A_159 : memref<1x8x2x128xi32, #tpu.memory_space<vmem>> -> memref<8x2x128xi32, #tpu.memory_space<vmem>>
            %dma_start3A_161 = arith.constant 0 : i32
            %dma_start3A_162 = arith.constant 0 : i32
            %dma_start3A_163 = arith.constant 0 : i32
            %dma_start3A_164 = tpu.memref_slice %arg3[%arg0, %add3A_144, %dma_start3A_161, %dma_start3A_162, %dma_start3A_163] : memref<2x160x8x2x128xi32, #tpu.memory_space<hbm>> -> memref<1x1x8x2x128xi32, #tpu.memory_space<hbm>>
            %dma_start3A_165 = tpu.memref_squeeze %dma_start3A_164 : memref<1x1x8x2x128xi32, #tpu.memory_space<hbm>> -> memref<8x2x128xi32, #tpu.memory_space<hbm>>
            tpu.enqueue_dma source(%dma_start3A_165 : memref<8x2x128xi32, #tpu.memory_space<hbm>>) target(%dma_start3A_160 : memref<8x2x128xi32, #tpu.memory_space<vmem>>) target_semaphore(%run_scoped3A_145 : memref<!tpu.dma_semaphore, #tpu.memory_space<semaphore_mem>>)
            %dma_wait3A_166 = arith.constant 0 : i32
            %dma_wait3A_167 = arith.constant 0 : i32
            %dma_wait3A_168 = arith.constant 0 : i32
            %dma_wait3A_169 = tpu.memref_slice %arg5[%rem3A_122, %dma_wait3A_166, %dma_wait3A_167, %dma_wait3A_168] : memref<2x8x2x128xi32, #tpu.memory_space<vmem>> -> memref<1x8x2x128xi32, #tpu.memory_space<vmem>>
            %dma_wait3A_170 = tpu.memref_squeeze %dma_wait3A_169 : memref<1x8x2x128xi32, #tpu.memory_space<vmem>> -> memref<8x2x128xi32, #tpu.memory_space<vmem>>
            %dma_wait3A_171 = arith.constant 0 : i32
            %dma_wait3A_172 = arith.constant 0 : i32
            %dma_wait3A_173 = arith.constant 0 : i32
            %dma_wait3A_174 = tpu.memref_slice %arg3[%arg0, %add3A_144, %dma_wait3A_171, %dma_wait3A_172, %dma_wait3A_173] : memref<2x160x8x2x128xi32, #tpu.memory_space<hbm>> -> memref<1x1x8x2x128xi32, #tpu.memory_space<hbm>>
            %dma_wait3A_175 = tpu.memref_squeeze %dma_wait3A_174 : memref<1x1x8x2x128xi32, #tpu.memory_space<hbm>> -> memref<8x2x128xi32, #tpu.memory_space<hbm>>
            %dma_wait3A_176 = arith.constant 0 : i32
            %dma_wait3A_177 = arith.constant 0 : i32
            %dma_wait3A_178 = arith.constant 0 : i32
            %dma_wait3A_179 = tpu.memref_slice %arg5[%rem3A_122, %dma_wait3A_176, %dma_wait3A_177, %dma_wait3A_178] : memref<2x8x2x128xi32, #tpu.memory_space<vmem>> -> memref<1x8x2x128xi32, #tpu.memory_space<vmem>>
            %dma_wait3A_180 = tpu.memref_squeeze %dma_wait3A_179 : memref<1x8x2x128xi32, #tpu.memory_space<vmem>> -> memref<8x2x128xi32, #tpu.memory_space<vmem>>
            %dma_wait3A_181 = arith.constant 0 : i32
            %dma_wait3A_182 = arith.constant 0 : i32
            %dma_wait3A_183 = arith.constant 0 : i32
            %dma_wait3A_184 = tpu.memref_slice %arg3[%arg0, %add3A_144, %dma_wait3A_181, %dma_wait3A_182, %dma_wait3A_183] : memref<2x160x8x2x128xi32, #tpu.memory_space<hbm>> -> memref<1x1x8x2x128xi32, #tpu.memory_space<hbm>>
            %dma_wait3A_185 = tpu.memref_squeeze %dma_wait3A_184 : memref<1x1x8x2x128xi32, #tpu.memory_space<hbm>> -> memref<8x2x128xi32, #tpu.memory_space<hbm>>
            tpu.wait_dma2 semaphore(%run_scoped3A_145 : memref<!tpu.dma_semaphore, #tpu.memory_space<semaphore_mem>>) src(%dma_wait3A_185 : memref<8x2x128xi32, #tpu.memory_space<hbm>>) dst(%dma_wait3A_180 : memref<8x2x128xi32, #tpu.memory_space<vmem>>)
            tpu.yield
          }) : () -> ()
        } else {
        }
        %rem3A_128 = arith.constant 2 : i32
        %rem3A_129 = arith.remsi %add3A_50, %rem3A_128 : i32
        %dma_start3A_130 = arith.constant 0 : i32
        %dma_start3A_131 = arith.constant 0 : i32
        %dma_start3A_132 = arith.constant 0 : i32
        %dma_start3A_133 = tpu.memref_slice %arg6[%rem3A_129, %dma_start3A_131, %dma_start3A_132] : memref<2x128x128xf32, #tpu.memory_space<vmem>> -> memref<1x128x128xf32, #tpu.memory_space<vmem>>
        %dma_start3A_134 = tpu.memref_squeeze %dma_start3A_133 : memref<1x128x128xf32, #tpu.memory_space<vmem>> -> memref<128x128xf32, #tpu.memory_space<vmem>>
        %dma_start3A_135 = arith.constant 0 : i32
        %dma_start3A_136 = tpu.memref_slice %arg5[%rem3A_122, %rem3A_120, %dma_start3A_130, %dma_start3A_135] : memref<2x8x2x128xi32, #tpu.memory_space<vmem>> -> memref<1x1x1x128xi32, #tpu.memory_space<vmem>>
        %dma_start3A_137 = tpu.memref_squeeze %dma_start3A_136 : memref<1x1x1x128xi32, #tpu.memory_space<vmem>> -> memref<128xi32, #tpu.memory_space<vmem>>
        %dma_start3A_138 = arith.constant 0 : i32
        %dma_start3A_139 = arith.constant 0 : i32
        %dma_start3A_140 = tpu.memref_slice %arg2[%dma_start3A_138, %dma_start3A_139] : memref<20000x128xf32, #tpu.memory_space<hbm>> -> memref<20000x128xf32, #tpu.memory_space<hbm>>
        %dma_start3A_141 = tpu.memref_slice %arg8[%rem3A_129] : memref<2x!tpu.dma_semaphore, #tpu.memory_space<semaphore_mem>> -> memref<1x!tpu.dma_semaphore, #tpu.memory_space<semaphore_mem>>
        %dma_start3A_142 = tpu.memref_squeeze %dma_start3A_141 : memref<1x!tpu.dma_semaphore, #tpu.memory_space<semaphore_mem>> -> memref<!tpu.dma_semaphore, #tpu.memory_space<semaphore_mem>>
        tpu.enqueue_indirect_dma source(%dma_start3A_140 : memref<20000x128xf32, #tpu.memory_space<hbm>>) target(%dma_start3A_134 : memref<128x128xf32, #tpu.memory_space<vmem>>) offsets(%dma_start3A_137 : memref<128xi32, #tpu.memory_space<vmem>>) semaphore(%dma_start3A_142 : memref<!tpu.dma_semaphore, #tpu.memory_space<semaphore_mem>>)
      } else {
      }
      %rem3A_56 = arith.constant 2 : i32
      %rem3A_57 = arith.remsi %scan3A_48, %rem3A_56 : i32
      %dma_wait3A = arith.constant 0 : i32
      %dma_wait3A_58 = arith.constant 0 : i32
      %dma_wait3A_59 = tpu.memref_slice %arg6[%rem3A_57, %dma_wait3A, %dma_wait3A_58] : memref<2x128x128xf32, #tpu.memory_space<vmem>> -> memref<1x128x128xf32, #tpu.memory_space<vmem>>
      %dma_wait3A_60 = tpu.memref_squeeze %dma_wait3A_59 : memref<1x128x128xf32, #tpu.memory_space<vmem>> -> memref<128x128xf32, #tpu.memory_space<vmem>>
      %dma_wait3A_61 = arith.constant 0 : i32
      %dma_wait3A_62 = arith.constant 0 : i32
      %dma_wait3A_63 = tpu.memref_slice %arg2[%dma_wait3A_61, %dma_wait3A_62] : memref<20000x128xf32, #tpu.memory_space<hbm>> -> memref<128x128xf32, #tpu.memory_space<hbm>>
      %dma_wait3A_64 = tpu.memref_slice %arg8[%rem3A_57] : memref<2x!tpu.dma_semaphore, #tpu.memory_space<semaphore_mem>> -> memref<1x!tpu.dma_semaphore, #tpu.memory_space<semaphore_mem>>
      %dma_wait3A_65 = tpu.memref_squeeze %dma_wait3A_64 : memref<1x!tpu.dma_semaphore, #tpu.memory_space<semaphore_mem>> -> memref<!tpu.dma_semaphore, #tpu.memory_space<semaphore_mem>>
      %dma_wait3A_66 = arith.constant 0 : i32
      %dma_wait3A_67 = arith.constant 0 : i32
      %dma_wait3A_68 = tpu.memref_slice %arg6[%rem3A_57, %dma_wait3A_66, %dma_wait3A_67] : memref<2x128x128xf32, #tpu.memory_space<vmem>> -> memref<1x128x128xf32, #tpu.memory_space<vmem>>
      %dma_wait3A_69 = tpu.memref_squeeze %dma_wait3A_68 : memref<1x128x128xf32, #tpu.memory_space<vmem>> -> memref<128x128xf32, #tpu.memory_space<vmem>>
      %dma_wait3A_70 = arith.constant 0 : i32
      %dma_wait3A_71 = arith.constant 0 : i32
      %dma_wait3A_72 = tpu.memref_slice %arg2[%dma_wait3A_70, %dma_wait3A_71] : memref<20000x128xf32, #tpu.memory_space<hbm>> -> memref<128x128xf32, #tpu.memory_space<hbm>>
      tpu.wait_dma2 semaphore(%dma_wait3A_65 : memref<!tpu.dma_semaphore, #tpu.memory_space<semaphore_mem>>) src(%dma_wait3A_72 : memref<128x128xf32, #tpu.memory_space<hbm>>) dst(%dma_wait3A_69 : memref<128x128xf32, #tpu.memory_space<vmem>>)
      %jit3A = arith.constant 8 : i32
      %div3A = arith.divsi %scan3A_48, %jit3A : i32
      %sign3A = arith.constant 0 : i32
      %sign3A_73 = arith.cmpi sgt, %scan3A_48, %sign3A : i32
      %sign3A_74 = arith.extui %sign3A_73 : i1 to i32
      %sign3A_75 = arith.constant 0 : i32
      %sign3A_76 = arith.cmpi slt, %scan3A_48, %sign3A_75 : i32
      %sign3A_77 = arith.extui %sign3A_76 : i1 to i32
      %sign3A_78 = arith.subi %sign3A_74, %sign3A_77 : i32
      %sign3A_79 = arith.constant 0 : i32
      %sign3A_80 = arith.cmpi sgt, %jit3A, %sign3A_79 : i32
      %sign3A_81 = arith.extui %sign3A_80 : i1 to i32
      %sign3A_82 = arith.constant 0 : i32
      %sign3A_83 = arith.cmpi slt, %jit3A, %sign3A_82 : i32
      %sign3A_84 = arith.extui %sign3A_83 : i1 to i32
      %sign3A_85 = arith.subi %sign3A_81, %sign3A_84 : i32
      %ne3A = arith.cmpi ne, %sign3A_78, %sign3A_85 : i32
      %rem3A_86 = arith.remsi %scan3A_48, %jit3A : i32
      %ne3A_87 = arith.constant 0 : i32
      %ne3A_88 = arith.cmpi ne, %rem3A_86, %ne3A_87 : i32
      %and3A = arith.andi %ne3A, %ne3A_88 : i1
      %sub3A = arith.constant 1 : i32
      %sub3A_89 = arith.subi %div3A, %sub3A : i32
      %select_n3A = arith.select %and3A, %sub3A_89, %div3A : i32
      %rem3A_90 = arith.constant 8 : i32
      %rem3A_91 = arith.remsi %scan3A_48, %rem3A_90 : i32
      %rem3A_92 = arith.constant 2 : i32
      %rem3A_93 = arith.remsi %select_n3A, %rem3A_92 : i32
      %run_scoped3A = arith.constant 1 : i32
      "tpu.region"() ({
        %run_scoped3A_95 = tpu.sem_alloc : memref<!tpu.dma_semaphore, #tpu.memory_space<semaphore_mem>>
        %dma_start3A_96 = arith.constant 0 : i32
        %dma_start3A_97 = arith.constant 0 : i32
        %dma_start3A_98 = tpu.memref_slice %arg6[%rem3A_57, %dma_start3A_96, %dma_start3A_97] : memref<2x128x128xf32, #tpu.memory_space<vmem>> -> memref<1x128x128xf32, #tpu.memory_space<vmem>>
        %dma_start3A_99 = tpu.memref_squeeze %dma_start3A_98 : memref<1x128x128xf32, #tpu.memory_space<vmem>> -> memref<128x128xf32, #tpu.memory_space<vmem>>
        %dma_start3A_100 = arith.constant 0 : i32
        %dma_start3A_101 = tpu.memref_slice %arg5[%rem3A_93, %rem3A_91, %run_scoped3A, %dma_start3A_100] : memref<2x8x2x128xi32, #tpu.memory_space<vmem>> -> memref<1x1x1x128xi32, #tpu.memory_space<vmem>>
        %dma_start3A_102 = tpu.memref_squeeze %dma_start3A_101 : memref<1x1x1x128xi32, #tpu.memory_space<vmem>> -> memref<128xi32, #tpu.memory_space<vmem>>
        %dma_start3A_103 = arith.constant 0 : i32
        %dma_start3A_104 = arith.constant 0 : i32
        %dma_start3A_105 = tpu.memref_slice %arg7[%dma_start3A_103, %dma_start3A_104] : memref<10240x128xf32, #tpu.memory_space<vmem_shared>> -> memref<10240x128xf32, #tpu.memory_space<vmem_shared>>
        tpu.enqueue_indirect_dma source(%dma_start3A_99 : memref<128x128xf32, #tpu.memory_space<vmem>>) target(%dma_start3A_105 : memref<10240x128xf32, #tpu.memory_space<vmem_shared>>) offsets(%dma_start3A_102 : memref<128xi32, #tpu.memory_space<vmem>>) semaphore(%run_scoped3A_95 : memref<!tpu.dma_semaphore, #tpu.memory_space<semaphore_mem>>) {add = true}
        %dma_wait3A_106 = arith.constant 0 : i32
        %dma_wait3A_107 = arith.constant 0 : i32
        %dma_wait3A_108 = tpu.memref_slice %arg6[%rem3A_57, %dma_wait3A_106, %dma_wait3A_107] : memref<2x128x128xf32, #tpu.memory_space<vmem>> -> memref<1x128x128xf32, #tpu.memory_space<vmem>>
        %dma_wait3A_109 = tpu.memref_squeeze %dma_wait3A_108 : memref<1x128x128xf32, #tpu.memory_space<vmem>> -> memref<128x128xf32, #tpu.memory_space<vmem>>
        %dma_wait3A_110 = arith.constant 0 : i32
        %dma_wait3A_111 = tpu.memref_slice %arg5[%rem3A_93, %rem3A_91, %run_scoped3A, %dma_wait3A_110] : memref<2x8x2x128xi32, #tpu.memory_space<vmem>> -> memref<1x1x1x128xi32, #tpu.memory_space<vmem>>
        %dma_wait3A_112 = tpu.memref_squeeze %dma_wait3A_111 : memref<1x1x1x128xi32, #tpu.memory_space<vmem>> -> memref<128xi32, #tpu.memory_space<vmem>>
        %dma_wait3A_113 = arith.constant 0 : i32
        %dma_wait3A_114 = arith.constant 0 : i32
        %dma_wait3A_115 = tpu.memref_slice %arg7[%dma_wait3A_113, %dma_wait3A_114] : memref<10240x128xf32, #tpu.memory_space<vmem_shared>> -> memref<10240x128xf32, #tpu.memory_space<vmem_shared>>
        tpu.wait_indirect_dma semaphore(%run_scoped3A_95 : memref<!tpu.dma_semaphore, #tpu.memory_space<semaphore_mem>>) src(%dma_wait3A_109 : memref<128x128xf32, #tpu.memory_space<vmem>>) dst(%dma_wait3A_115 : memref<10240x128xf32, #tpu.memory_space<vmem_shared>>)
        tpu.yield
      }) : () -> ()
      %scan3A_94 = arith.constant 0 : i32
      scf.yield %scan3A_94 : i32
    }
    %scan3A_36 = arith.constant 80 : i32
    %barrier3A_37 = arith.constant 0 : index
    tpu.barrier barrier_id(%barrier3A_37)
    %lt3A_38 = arith.constant 15 : i32
    %lt3A_39 = arith.cmpi slt, %arg1, %lt3A_38 : i32
    %convert_element_type3A_40 = arith.extui %lt3A_39 : i1 to i32
    %cond3A_41 = arith.constant 0 : i32
    %cond3A_42 = arith.cmpi ne, %convert_element_type3A_40, %cond3A_41 : i32
    scf.if %cond3A_42 {
      %mul3A = arith.constant 640 : i32
      %mul3A_48 = arith.muli %arg1, %mul3A : i32
      %mul3A_49 = arith.constant 640 : i32
      %mul3A_50 = arith.muli %arg1, %mul3A_49 : i32
      "tpu.region"() ({
        %run_scoped3A = tpu.sem_alloc : memref<!tpu.dma_semaphore, #tpu.memory_space<semaphore_mem>>
        %dma_start3A_51 = arith.constant 0 : i32
        %dma_start3A_52 = tpu.memref_slice %arg4[%arg0, %mul3A_50, %dma_start3A_51] : memref<2x10000x128xf32, #tpu.memory_space<hbm>> -> memref<1x640x128xf32, #tpu.memory_space<hbm>>
        %dma_start3A_53 = tpu.memref_squeeze %dma_start3A_52 : memref<1x640x128xf32, #tpu.memory_space<hbm>> -> memref<640x128xf32, #tpu.memory_space<hbm>>
        %dma_start3A_54 = arith.constant 0 : i32
        %dma_start3A_55 = tpu.memref_slice %arg7[%mul3A_48, %dma_start3A_54] : memref<10240x128xf32, #tpu.memory_space<vmem_shared>> -> memref<640x128xf32, #tpu.memory_space<vmem_shared>>
        tpu.enqueue_dma source(%dma_start3A_55 : memref<640x128xf32, #tpu.memory_space<vmem_shared>>) target(%dma_start3A_53 : memref<640x128xf32, #tpu.memory_space<hbm>>) target_semaphore(%run_scoped3A : memref<!tpu.dma_semaphore, #tpu.memory_space<semaphore_mem>>)
        %dma_wait3A = arith.constant 0 : i32
        %dma_wait3A_56 = tpu.memref_slice %arg4[%arg0, %mul3A_50, %dma_wait3A] : memref<2x10000x128xf32, #tpu.memory_space<hbm>> -> memref<1x640x128xf32, #tpu.memory_space<hbm>>
        %dma_wait3A_57 = tpu.memref_squeeze %dma_wait3A_56 : memref<1x640x128xf32, #tpu.memory_space<hbm>> -> memref<640x128xf32, #tpu.memory_space<hbm>>
        %dma_wait3A_58 = arith.constant 0 : i32
        %dma_wait3A_59 = tpu.memref_slice %arg7[%mul3A_48, %dma_wait3A_58] : memref<10240x128xf32, #tpu.memory_space<vmem_shared>> -> memref<640x128xf32, #tpu.memory_space<vmem_shared>>
        tpu.wait_dma2 semaphore(%run_scoped3A : memref<!tpu.dma_semaphore, #tpu.memory_space<semaphore_mem>>) src(%dma_wait3A_59 : memref<640x128xf32, #tpu.memory_space<vmem_shared>>) dst(%dma_wait3A_57 : memref<640x128xf32, #tpu.memory_space<hbm>>)
        tpu.yield
      }) : () -> ()
    } else {
    }
    %eq3A_43 = arith.constant 15 : i32
    %eq3A_44 = arith.cmpi eq, %arg1, %eq3A_43 : i32
    %convert_element_type3A_45 = arith.extui %eq3A_44 : i1 to i32
    %cond3A_46 = arith.constant 0 : i32
    %cond3A_47 = arith.cmpi ne, %convert_element_type3A_45, %cond3A_46 : i32
    scf.if %cond3A_47 {
      %mul3A = arith.constant 640 : i32
      %mul3A_48 = arith.muli %arg1, %mul3A : i32
      %mul3A_49 = arith.constant 640 : i32
      %mul3A_50 = arith.muli %arg1, %mul3A_49 : i32
      "tpu.region"() ({
        %run_scoped3A = tpu.sem_alloc : memref<!tpu.dma_semaphore, #tpu.memory_space<semaphore_mem>>
        %dma_start3A_51 = arith.constant 0 : i32
        %dma_start3A_52 = tpu.memref_slice %arg4[%arg0, %mul3A_50, %dma_start3A_51] : memref<2x10000x128xf32, #tpu.memory_space<hbm>> -> memref<1x400x128xf32, #tpu.memory_space<hbm>>
        %dma_start3A_53 = tpu.memref_squeeze %dma_start3A_52 : memref<1x400x128xf32, #tpu.memory_space<hbm>> -> memref<400x128xf32, #tpu.memory_space<hbm>>
        %dma_start3A_54 = arith.constant 0 : i32
        %dma_start3A_55 = tpu.memref_slice %arg7[%mul3A_48, %dma_start3A_54] : memref<10240x128xf32, #tpu.memory_space<vmem_shared>> -> memref<400x128xf32, #tpu.memory_space<vmem_shared>>
        tpu.enqueue_dma source(%dma_start3A_55 : memref<400x128xf32, #tpu.memory_space<vmem_shared>>) target(%dma_start3A_53 : memref<400x128xf32, #tpu.memory_space<hbm>>) target_semaphore(%run_scoped3A : memref<!tpu.dma_semaphore, #tpu.memory_space<semaphore_mem>>)
        %dma_wait3A = arith.constant 0 : i32
        %dma_wait3A_56 = tpu.memref_slice %arg4[%arg0, %mul3A_50, %dma_wait3A] : memref<2x10000x128xf32, #tpu.memory_space<hbm>> -> memref<1x400x128xf32, #tpu.memory_space<hbm>>
        %dma_wait3A_57 = tpu.memref_squeeze %dma_wait3A_56 : memref<1x400x128xf32, #tpu.memory_space<hbm>> -> memref<400x128xf32, #tpu.memory_space<hbm>>
        %dma_wait3A_58 = arith.constant 0 : i32
        %dma_wait3A_59 = tpu.memref_slice %arg7[%mul3A_48, %dma_wait3A_58] : memref<10240x128xf32, #tpu.memory_space<vmem_shared>> -> memref<400x128xf32, #tpu.memory_space<vmem_shared>>
        tpu.wait_dma2 semaphore(%run_scoped3A : memref<!tpu.dma_semaphore, #tpu.memory_space<semaphore_mem>>) src(%dma_wait3A_59 : memref<400x128xf32, #tpu.memory_space<vmem_shared>>) dst(%dma_wait3A_57 : memref<400x128xf32, #tpu.memory_space<hbm>>)
        tpu.yield
      }) : () -> ()
    } else {
    }
    return
  }
}

module attributes {stable_mosaic.version = 14 : i64} {
  func.func @_mm1_body(%arg0: i32, %arg1: memref<400x2xf32, #tpu.memory_space<vmem>>, %arg2: memref<400x256xf32, #tpu.memory_space<vmem>>, %arg3: memref<256x256xf32, #tpu.memory_space<vmem>>, %arg4: memref<2x400x128xf32, #tpu.memory_space<vmem>>, %arg5: memref<400x1xf32, #tpu.memory_space<vmem>>) attributes {dimension_semantics = [#tpu.dimension_semantics<arbitrary>], iteration_bounds = array<i64: 25>, scalar_prefetch = 0 : i64, scratch_operands = 0 : i64, tpu.core_type = #tpu.core_type<tc>, window_params = [{transform_indices = @transform_0, window_bounds = array<i64: 400, 2>}, {transform_indices = @transform_1, window_bounds = array<i64: 400, 256>}, {pipeline_mode = #tpu.pipeline_mode<synchronous>, transform_indices = @transform_2, window_bounds = array<i64: 256, 256>}, {transform_indices = @transform_3, window_bounds = array<i64: 2, 400, 128>}, {transform_indices = @transform_4, window_bounds = array<i64: 400, 1>}]} {
    %get3A = arith.constant 0 : index
    %get3A_0 = arith.constant 0 : index
    %get3A_1 = vector.load %arg1[%get3A, %get3A_0] : memref<400x2xf32, #tpu.memory_space<vmem>>, vector<400x1xf32>
    %get3A_2 = vector.shape_cast %get3A_1 : vector<400x1xf32> to vector<400xf32>
    %get3A_3 = arith.constant 0 : index
    %get3A_4 = arith.constant 1 : index
    %get3A_5 = vector.load %arg1[%get3A_3, %get3A_4] : memref<400x2xf32, #tpu.memory_space<vmem>>, vector<400x1xf32>
    %get3A_6 = vector.shape_cast %get3A_5 : vector<400x1xf32> to vector<400xf32>
    %add3A = arith.addf %get3A_2, %get3A_6 : vector<400xf32>
    %add3A_7 = arith.constant 1.000000e+00 : f32
    %add3A_8 = vector.broadcast %add3A_7 : f32 to vector<400xf32>
    %add3A_9 = arith.addf %add3A, %add3A_8 : vector<400xf32>
    %max3A = arith.constant 1.000000e+00 : f32
    %max3A_10 = vector.broadcast %max3A : f32 to vector<400xf32>
    %max3A_11 = arith.maximumf %add3A_9, %max3A_10 : vector<400xf32>
    %rsqrt3A = math.rsqrt %max3A_11 : vector<400xf32>
    %get3A_12 = arith.constant 0 : index
    %get3A_13 = arith.constant 0 : index
    %get3A_14 = vector.load %arg2[%get3A_12, %get3A_13] : memref<400x256xf32, #tpu.memory_space<vmem>>, vector<400x256xf32>
    %get3A_15 = arith.constant 0 : index
    %get3A_16 = arith.constant 0 : index
    %get3A_17 = vector.load %arg3[%get3A_15, %get3A_16] : memref<256x256xf32, #tpu.memory_space<vmem>>, vector<256x256xf32>
    %dot_general3A = arith.constant dense<0.000000e+00> : vector<400x256xf32>
    %dot_general3A_18 = tpu.matmul %get3A_14, %get3A_17, %dot_general3A {dimension_numbers = #tpu.dot_dimension_numbers<[1], [0], [0], [1], [0, 0, 1, 1], [], []>, transpose_lhs_hint = false} : vector<400x256xf32>, vector<256x256xf32>, vector<400x256xf32> -> vector<400x256xf32>
    %broadcast_in_dim3A = vector.shape_cast %rsqrt3A : vector<400xf32> to vector<400x1xf32>
    %mul3A = vector.broadcast %broadcast_in_dim3A : vector<400x1xf32> to vector<400x256xf32>
    %mul3A_19 = arith.mulf %dot_general3A_18, %mul3A : vector<400x256xf32>
    %slice3A = vector.extract_strided_slice %mul3A_19 {offsets = [0, 0], sizes = [400, 128], strides = [1, 1]} : vector<400x256xf32> to vector<400x128xf32>
    %swap3A = arith.constant 0 : index
    %swap3A_20 = arith.constant 0 : index
    %swap3A_21 = arith.constant 0 : index
    %swap3A_22 = vector.load %arg4[%swap3A, %swap3A_20, %swap3A_21] : memref<2x400x128xf32, #tpu.memory_space<vmem>>, vector<1x400x128xf32>
    %swap3A_23 = vector.shape_cast %swap3A_22 : vector<1x400x128xf32> to vector<400x128xf32>
    %swap3A_24 = vector.shape_cast %slice3A : vector<400x128xf32> to vector<1x400x128xf32>
    tpu.vector_store %arg4[%swap3A, %swap3A_20, %swap3A_21], %swap3A_24 {strides = array<i32>} : memref<2x400x128xf32, #tpu.memory_space<vmem>>, vector<1x400x128xf32>,
    %slice3A_25 = vector.extract_strided_slice %mul3A_19 {offsets = [0, 128], sizes = [400, 128], strides = [1, 1]} : vector<400x256xf32> to vector<400x128xf32>
    %swap3A_26 = arith.constant 1 : index
    %swap3A_27 = arith.constant 0 : index
    %swap3A_28 = arith.constant 0 : index
    %swap3A_29 = vector.load %arg4[%swap3A_26, %swap3A_27, %swap3A_28] : memref<2x400x128xf32, #tpu.memory_space<vmem>>, vector<1x400x128xf32>
    %swap3A_30 = vector.shape_cast %swap3A_29 : vector<1x400x128xf32> to vector<400x128xf32>
    %swap3A_31 = vector.shape_cast %slice3A_25 : vector<400x128xf32> to vector<1x400x128xf32>
    tpu.vector_store %arg4[%swap3A_26, %swap3A_27, %swap3A_28], %swap3A_31 {strides = array<i32>} : memref<2x400x128xf32, #tpu.memory_space<vmem>>, vector<1x400x128xf32>,
    %broadcast_in_dim3A_32 = vector.shape_cast %rsqrt3A : vector<400xf32> to vector<400x1xf32>
    %swap3A_33 = arith.constant 0 : index
    %swap3A_34 = arith.constant 0 : index
    %swap3A_35 = vector.load %arg5[%swap3A_33, %swap3A_34] : memref<400x1xf32, #tpu.memory_space<vmem>>, vector<400x1xf32>
    tpu.vector_store %arg5[%swap3A_33, %swap3A_34], %broadcast_in_dim3A_32 {strides = array<i32>} : memref<400x1xf32, #tpu.memory_space<vmem>>, vector<400x1xf32>,
    return
  }
  func.func @transform_0(%arg0: i32) -> (i32, i32) {
    %c0_i32 = arith.constant 0 : i32
    %c0_i32_0 = arith.constant 0 : i32
    return %arg0, %c0_i32 : i32, i32
  }
  func.func @transform_1(%arg0: i32) -> (i32, i32) {
    %c0_i32 = arith.constant 0 : i32
    %c0_i32_0 = arith.constant 0 : i32
    return %arg0, %c0_i32 : i32, i32
  }
  func.func @transform_2(%arg0: i32) -> (i32, i32) {
    %c0_i32 = arith.constant 0 : i32
    %c0_i32_0 = arith.constant 0 : i32
    %c0_i32_1 = arith.constant 0 : i32
    return %c0_i32, %c0_i32_0 : i32, i32
  }
  func.func @transform_3(%arg0: i32) -> (i32, i32, i32) {
    %c0_i32 = arith.constant 0 : i32
    %c0_i32_0 = arith.constant 0 : i32
    %c0_i32_1 = arith.constant 0 : i32
    return %c0_i32, %arg0, %c0_i32_0 : i32, i32, i32
  }
  func.func @transform_4(%arg0: i32) -> (i32, i32) {
    %c0_i32 = arith.constant 0 : i32
    %c0_i32_0 = arith.constant 0 : i32
    return %arg0, %c0_i32 : i32, i32
  }
}

module attributes {stable_mosaic.version = 14 : i64} {
  func.func @_mid_body(%arg0: i32, %arg1: memref<2x400x128xf32, #tpu.memory_space<vmem>>, %arg2: memref<400x1xf32, #tpu.memory_space<vmem>>, %arg3: memref<1x256xf32, #tpu.memory_space<vmem>>, %arg4: memref<256x256xf32, #tpu.memory_space<vmem>>, %arg5: memref<2x400x128xf32, #tpu.memory_space<vmem>>) attributes {dimension_semantics = [#tpu.dimension_semantics<arbitrary>], iteration_bounds = array<i64: 25>, scalar_prefetch = 0 : i64, scratch_operands = 0 : i64, tpu.core_type = #tpu.core_type<tc>, window_params = [{transform_indices = @transform_0, window_bounds = array<i64: 2, 400, 128>}, {transform_indices = @transform_1, window_bounds = array<i64: 400, 1>}, {pipeline_mode = #tpu.pipeline_mode<synchronous>, transform_indices = @transform_2, window_bounds = array<i64: 1, 256>}, {pipeline_mode = #tpu.pipeline_mode<synchronous>, transform_indices = @transform_3, window_bounds = array<i64: 256, 256>}, {transform_indices = @transform_4, window_bounds = array<i64: 2, 400, 128>}]} {
    %get3A = arith.constant 0 : index
    %get3A_0 = arith.constant 0 : index
    %get3A_1 = vector.load %arg2[%get3A, %get3A_0] : memref<400x1xf32, #tpu.memory_space<vmem>>, vector<400x1xf32>
    %get3A_2 = arith.constant 0 : index
    %get3A_3 = arith.constant 0 : index
    %get3A_4 = arith.constant 0 : index
    %get3A_5 = vector.load %arg1[%get3A_2, %get3A_3, %get3A_4] : memref<2x400x128xf32, #tpu.memory_space<vmem>>, vector<1x400x128xf32>
    %get3A_6 = vector.shape_cast %get3A_5 : vector<1x400x128xf32> to vector<400x128xf32>
    %mul3A = vector.broadcast %get3A_1 : vector<400x1xf32> to vector<400x128xf32>
    %mul3A_7 = arith.mulf %get3A_6, %mul3A : vector<400x128xf32>
    %get3A_8 = arith.constant 0 : index
    %get3A_9 = arith.constant 0 : index
    %get3A_10 = vector.load %arg3[%get3A_8, %get3A_9] : memref<1x256xf32, #tpu.memory_space<vmem>>, vector<1x128xf32>
    %get3A_11 = vector.shape_cast %get3A_10 : vector<1x128xf32> to vector<128xf32>
    %broadcast_in_dim3A = vector.shape_cast %get3A_11 : vector<128xf32> to vector<1x128xf32>
    %add3A = vector.broadcast %broadcast_in_dim3A : vector<1x128xf32> to vector<400x128xf32>
    %add3A_12 = arith.addf %mul3A_7, %add3A : vector<400x128xf32>
    %max3A = arith.constant 0.000000e+00 : f32
    %max3A_13 = vector.broadcast %max3A : f32 to vector<400x128xf32>
    %max3A_14 = arith.maximumf %add3A_12, %max3A_13 : vector<400x128xf32>
    %get3A_15 = arith.constant 1 : index
    %get3A_16 = arith.constant 0 : index
    %get3A_17 = arith.constant 0 : index
    %get3A_18 = vector.load %arg1[%get3A_15, %get3A_16, %get3A_17] : memref<2x400x128xf32, #tpu.memory_space<vmem>>, vector<1x400x128xf32>
    %get3A_19 = vector.shape_cast %get3A_18 : vector<1x400x128xf32> to vector<400x128xf32>
    %mul3A_20 = vector.broadcast %get3A_1 : vector<400x1xf32> to vector<400x128xf32>
    %mul3A_21 = arith.mulf %get3A_19, %mul3A_20 : vector<400x128xf32>
    %get3A_22 = arith.constant 0 : index
    %get3A_23 = arith.constant 128 : index
    %get3A_24 = vector.load %arg3[%get3A_22, %get3A_23] : memref<1x256xf32, #tpu.memory_space<vmem>>, vector<1x128xf32>
    %get3A_25 = vector.shape_cast %get3A_24 : vector<1x128xf32> to vector<128xf32>
    %broadcast_in_dim3A_26 = vector.shape_cast %get3A_25 : vector<128xf32> to vector<1x128xf32>
    %add3A_27 = vector.broadcast %broadcast_in_dim3A_26 : vector<1x128xf32> to vector<400x128xf32>
    %add3A_28 = arith.addf %mul3A_21, %add3A_27 : vector<400x128xf32>
    %max3A_29 = arith.constant 0.000000e+00 : f32
    %max3A_30 = vector.broadcast %max3A_29 : f32 to vector<400x128xf32>
    %max3A_31 = arith.maximumf %add3A_28, %max3A_30 : vector<400x128xf32>
    %concatenate3A = tpu.concatenate %max3A_14, %max3A_31 in 1 : vector<400x128xf32>, vector<400x128xf32> -> vector<400x256xf32>
    %get3A_32 = arith.constant 0 : index
    %get3A_33 = arith.constant 0 : index
    %get3A_34 = vector.load %arg4[%get3A_32, %get3A_33] : memref<256x256xf32, #tpu.memory_space<vmem>>, vector<256x256xf32>
    %dot_general3A = arith.constant dense<0.000000e+00> : vector<400x256xf32>
    %dot_general3A_35 = tpu.matmul %concatenate3A, %get3A_34, %dot_general3A {dimension_numbers = #tpu.dot_dimension_numbers<[1], [0], [0], [1], [0, 0, 1, 1], [], []>, transpose_lhs_hint = false} : vector<400x256xf32>, vector<256x256xf32>, vector<400x256xf32> -> vector<400x256xf32>
    %mul3A_36 = vector.broadcast %get3A_1 : vector<400x1xf32> to vector<400x256xf32>
    %mul3A_37 = arith.mulf %dot_general3A_35, %mul3A_36 : vector<400x256xf32>
    %slice3A = vector.extract_strided_slice %mul3A_37 {offsets = [0, 0], sizes = [400, 128], strides = [1, 1]} : vector<400x256xf32> to vector<400x128xf32>
    %swap3A = arith.constant 0 : index
    %swap3A_38 = arith.constant 0 : index
    %swap3A_39 = arith.constant 0 : index
    %swap3A_40 = vector.load %arg5[%swap3A, %swap3A_38, %swap3A_39] : memref<2x400x128xf32, #tpu.memory_space<vmem>>, vector<1x400x128xf32>
    %swap3A_41 = vector.shape_cast %swap3A_40 : vector<1x400x128xf32> to vector<400x128xf32>
    %swap3A_42 = vector.shape_cast %slice3A : vector<400x128xf32> to vector<1x400x128xf32>
    tpu.vector_store %arg5[%swap3A, %swap3A_38, %swap3A_39], %swap3A_42 {strides = array<i32>} : memref<2x400x128xf32, #tpu.memory_space<vmem>>, vector<1x400x128xf32>,
    %slice3A_43 = vector.extract_strided_slice %mul3A_37 {offsets = [0, 128], sizes = [400, 128], strides = [1, 1]} : vector<400x256xf32> to vector<400x128xf32>
    %swap3A_44 = arith.constant 1 : index
    %swap3A_45 = arith.constant 0 : index
    %swap3A_46 = arith.constant 0 : index
    %swap3A_47 = vector.load %arg5[%swap3A_44, %swap3A_45, %swap3A_46] : memref<2x400x128xf32, #tpu.memory_space<vmem>>, vector<1x400x128xf32>
    %swap3A_48 = vector.shape_cast %swap3A_47 : vector<1x400x128xf32> to vector<400x128xf32>
    %swap3A_49 = vector.shape_cast %slice3A_43 : vector<400x128xf32> to vector<1x400x128xf32>
    tpu.vector_store %arg5[%swap3A_44, %swap3A_45, %swap3A_46], %swap3A_49 {strides = array<i32>} : memref<2x400x128xf32, #tpu.memory_space<vmem>>, vector<1x400x128xf32>,
    return
  }
  func.func @transform_0(%arg0: i32) -> (i32, i32, i32) {
    %c0_i32 = arith.constant 0 : i32
    %c0_i32_0 = arith.constant 0 : i32
    %c0_i32_1 = arith.constant 0 : i32
    return %c0_i32, %arg0, %c0_i32_0 : i32, i32, i32
  }
  func.func @transform_1(%arg0: i32) -> (i32, i32) {
    %c0_i32 = arith.constant 0 : i32
    %c0_i32_0 = arith.constant 0 : i32
    return %arg0, %c0_i32 : i32, i32
  }
  func.func @transform_2(%arg0: i32) -> (i32, i32) {
    %c0_i32 = arith.constant 0 : i32
    %c0_i32_0 = arith.constant 0 : i32
    %c0_i32_1 = arith.constant 0 : i32
    return %c0_i32, %c0_i32_0 : i32, i32
  }
  func.func @transform_3(%arg0: i32) -> (i32, i32) {
    %c0_i32 = arith.constant 0 : i32
    %c0_i32_0 = arith.constant 0 : i32
    %c0_i32_1 = arith.constant 0 : i32
    return %c0_i32, %c0_i32_0 : i32, i32
  }
  func.func @transform_4(%arg0: i32) -> (i32, i32, i32) {
    %c0_i32 = arith.constant 0 : i32
    %c0_i32_0 = arith.constant 0 : i32
    %c0_i32_1 = arith.constant 0 : i32
    return %c0_i32, %arg0, %c0_i32_0 : i32, i32, i32
  }
}

module attributes {stable_mosaic.version = 14 : i64} {
  func.func @_fin_body(%arg0: i32, %arg1: memref<2x400x128xf32, #tpu.memory_space<vmem>>, %arg2: memref<400x1xf32, #tpu.memory_space<vmem>>, %arg3: memref<1x256xf32, #tpu.memory_space<vmem>>, %arg4: memref<400x256xf32, #tpu.memory_space<vmem>>) attributes {dimension_semantics = [#tpu.dimension_semantics<arbitrary>], iteration_bounds = array<i64: 25>, scalar_prefetch = 0 : i64, scratch_operands = 0 : i64, tpu.core_type = #tpu.core_type<tc>, window_params = [{transform_indices = @transform_0, window_bounds = array<i64: 2, 400, 128>}, {transform_indices = @transform_1, window_bounds = array<i64: 400, 1>}, {pipeline_mode = #tpu.pipeline_mode<synchronous>, transform_indices = @transform_2, window_bounds = array<i64: 1, 256>}, {transform_indices = @transform_3, window_bounds = array<i64: 400, 256>}]} {
    %get3A = arith.constant 0 : index
    %get3A_0 = arith.constant 0 : index
    %get3A_1 = vector.load %arg2[%get3A, %get3A_0] : memref<400x1xf32, #tpu.memory_space<vmem>>, vector<400x1xf32>
    %get3A_2 = arith.constant 0 : index
    %get3A_3 = arith.constant 0 : index
    %get3A_4 = arith.constant 0 : index
    %get3A_5 = vector.load %arg1[%get3A_2, %get3A_3, %get3A_4] : memref<2x400x128xf32, #tpu.memory_space<vmem>>, vector<1x400x128xf32>
    %get3A_6 = vector.shape_cast %get3A_5 : vector<1x400x128xf32> to vector<400x128xf32>
    %mul3A = vector.broadcast %get3A_1 : vector<400x1xf32> to vector<400x128xf32>
    %mul3A_7 = arith.mulf %get3A_6, %mul3A : vector<400x128xf32>
    %get3A_8 = arith.constant 0 : index
    %get3A_9 = arith.constant 0 : index
    %get3A_10 = vector.load %arg3[%get3A_8, %get3A_9] : memref<1x256xf32, #tpu.memory_space<vmem>>, vector<1x128xf32>
    %get3A_11 = vector.shape_cast %get3A_10 : vector<1x128xf32> to vector<128xf32>
    %broadcast_in_dim3A = vector.shape_cast %get3A_11 : vector<128xf32> to vector<1x128xf32>
    %add3A = vector.broadcast %broadcast_in_dim3A : vector<1x128xf32> to vector<400x128xf32>
    %add3A_12 = arith.addf %mul3A_7, %add3A : vector<400x128xf32>
    %get3A_13 = arith.constant 1 : index
    %get3A_14 = arith.constant 0 : index
    %get3A_15 = arith.constant 0 : index
    %get3A_16 = vector.load %arg1[%get3A_13, %get3A_14, %get3A_15] : memref<2x400x128xf32, #tpu.memory_space<vmem>>, vector<1x400x128xf32>
    %get3A_17 = vector.shape_cast %get3A_16 : vector<1x400x128xf32> to vector<400x128xf32>
    %mul3A_18 = vector.broadcast %get3A_1 : vector<400x1xf32> to vector<400x128xf32>
    %mul3A_19 = arith.mulf %get3A_17, %mul3A_18 : vector<400x128xf32>
    %get3A_20 = arith.constant 0 : index
    %get3A_21 = arith.constant 128 : index
    %get3A_22 = vector.load %arg3[%get3A_20, %get3A_21] : memref<1x256xf32, #tpu.memory_space<vmem>>, vector<1x128xf32>
    %get3A_23 = vector.shape_cast %get3A_22 : vector<1x128xf32> to vector<128xf32>
    %broadcast_in_dim3A_24 = vector.shape_cast %get3A_23 : vector<128xf32> to vector<1x128xf32>
    %add3A_25 = vector.broadcast %broadcast_in_dim3A_24 : vector<1x128xf32> to vector<400x128xf32>
    %add3A_26 = arith.addf %mul3A_19, %add3A_25 : vector<400x128xf32>
    %concatenate3A = tpu.concatenate %add3A_12, %add3A_26 in 1 : vector<400x128xf32>, vector<400x128xf32> -> vector<400x256xf32>
    %swap3A = arith.constant 0 : index
    %swap3A_27 = arith.constant 0 : index
    %swap3A_28 = vector.load %arg4[%swap3A, %swap3A_27] : memref<400x256xf32, #tpu.memory_space<vmem>>, vector<400x256xf32>
    tpu.vector_store %arg4[%swap3A, %swap3A_27], %concatenate3A {strides = array<i32>} : memref<400x256xf32, #tpu.memory_space<vmem>>, vector<400x256xf32>,
    return
  }
  func.func @transform_0(%arg0: i32) -> (i32, i32, i32) {
    %c0_i32 = arith.constant 0 : i32
    %c0_i32_0 = arith.constant 0 : i32
    %c0_i32_1 = arith.constant 0 : i32
    return %c0_i32, %arg0, %c0_i32_0 : i32, i32, i32
  }
  func.func @transform_1(%arg0: i32) -> (i32, i32) {
    %c0_i32 = arith.constant 0 : i32
    %c0_i32_0 = arith.constant 0 : i32
    return %arg0, %c0_i32 : i32, i32
  }
  func.func @transform_2(%arg0: i32) -> (i32, i32) {
    %c0_i32 = arith.constant 0 : i32
    %c0_i32_0 = arith.constant 0 : i32
    %c0_i32_1 = arith.constant 0 : i32
    return %c0_i32, %c0_i32_0 : i32, i32
  }
  func.func @transform_3(%arg0: i32) -> (i32, i32) {
    %c0_i32 = arith.constant 0 : i32
    %c0_i32_0 = arith.constant 0 : i32
    return %arg0, %c0_i32 : i32, i32
  }
}

</mosaic_0001>

<sc_bundles>
// kernel: kernel.11.cloned.1.call-start
scs
__scs_entry_jumppad:
0x0: {  	(pc) =	sbr.rel $0x88, $3  }
0x1: {  	(tag) =	ssettag $0x0;
	lr =	simm.s32 $0x1  }
0x2: {  	[smem:$0x3F9B] =	sst lr;
	_ =	strace $0xD0000000  }
0x3: {  	_ = 	snop  }
0x4: {  	_ = 	snop  }
0x5: {  	_ = 	snop  }
0x6: {  	_ = 	snop  }
0x7: {  	_ = 	snop  }
__scs_overlays_trampoline_lowered:
0x8: {  	[smem:$0x3FAA] =	sst s0  }
0x9: {  	[smem:$0x3FAB] =	sst s1  }
0xa: {  	[smem:$0x3FAC] =	sst s2  }
0xb: {  	[smem:$0x3FAD] =	sst s3  }
0xc: {  	[smem:$0x3FAE] =	sst s4  }
0xd: {  	[smem:$0x3FAF] =	sst s5  }
0xe: {  	[smem:$0x3FB0] =	sst s6  }
0xf: {  	[smem:$0x3FB1] =	sst s7  }
0x10: {  	[smem:$0x3FB2] =	sst s8  }
0x11: {  	[smem:$0x3FB3] =	sst s9;
	s0 =	simm.s32 @!p0 $0x0  }
0x12: {  	s1 =	sld [smem:$0x3F99];
	s0 =	simm.s32 @p0 $0x1  }
0x13: {  	[smem:$0x3FB4] =	sst s0;
	s0 =	simm.s32 @!p1 $0x0  }
0x14: {  	s2 =	sld [smem:$0x3F98];
	s0 =	simm.s32 @p1 $0x1  }
0x15: {  	[smem:$0x3FB5] =	sst s0;
	s0 =	simm.s32 @!p2 $0x0  }
0x16: {  	s3 =	sld [smem:$0x3FDB];
	s0 =	simm.s32 @p2 $0x1  }
0x17: {  	s4 =	simm.s32 $0x1BF5;
	[smem:$0x3FB7] =	sst s0  }
0x18: {  	s0 =	sld [smem:$0x3F9A];
	_ =	swait.ge [sflag:s4], $0x0  }
0x19: {  	s7 =	sld [smem:$0x3F9B]  }
0x1a: {  	s8 =	sadd.s32 $0xFFFFE003, lr  }
0x1b: {  	s9 =	sadd.s32 $0xFFFFFEF7, lr;
	s5 =	simm.s32 $0xFFFFFFFF;
	p2 =	slt.u32 s8, $0xFFFFF086  }
0x1c: {  	p1 =	slt.u32 s9, $0xF7A;
	s5 =	simm.s32 @!p2 $0x0  }
0x1d: {  	s5 =	simm.s32 @p1 $0x1;
	p0 =	seq.s32 s7, s2  }
0x1e: {  	s7 =	smul.u32 @!p0 $0xF7A, s2;
	p2 =	seq.s32 @!p0 s5, $0x0  }
0x1f: {  	s9 =	smul.u32 $0xF7A, s1;
	s8 =	simm.s32 @!p0 $0x1BF5;
	p2 =	por !p2, p0  }
0x20: {  	[sflag:s8] =	ssyncset.s32 @!p0 $0xFFFFF086;
	s6 =	sadd.s32 @!p0 s3, s7;
	s7 =	simm.s32 @!p0 $0x108  }
0x21: {  	s3 =	sadd.s32 s3, s9;
	s6 =	sadd.s32 @!p0 $0x88, s6;
	s7 =	simm.s32 @p2 $0x1082  }
0x22: {  	[simem:s7], [sflag:s8] =	dma.local @!p0 [hbm:s6], $0xF7A  }
0x23: {  	s9 =	sor.u32 $0xD0000000, s2;
	s6 =	simm.s32 $0x108;
	_ =	swait.ge @!p0 [sflag:s8], $0x0  }
0x24: {  	s3 =	sadd.s32 $0x88, s3;
	s6 =	simm.s32 @!p1 $0x1082;
	[sflag:s4] =	ssyncset.s32 $0xFFFFF086  }
0x25: {  	[simem:s6], [sflag:s4] =	dma.local [hbm:s3], $0xF7A  }
0x26: {  	[smem:$0x3F9B] =	sst s1;
	(tag) =	ssettag s2;
	_ =	strace s9  }
0x27: {  	s1 =	sld [smem:$0x3FAB]  }
0x28: {  	s2 =	sld [smem:$0x3FAC]  }
0x29: {  	s4 =	sld [smem:$0x3FAE]  }
0x2a: {  	p0 =	seq.s32 s5, $0x0;
	s5 =	sld [smem:$0x3FAF]  }
0x2b: {  	s6 =	sld [smem:$0x3FB0]  }
0x2c: {  	s7 =	sld [smem:$0x3FB1]  }
0x2d: {  	s3 =	simm.s32 $0x108;
	s8 =	sld [smem:$0x3FB2]  }
0x2e: {  	s3 =	simm.s32 @!p0 $0x1082;
	s9 =	sld [smem:$0x3FB3]  }
0x2f: {  	lr =	sadd.s32 s0, s3;
	s0 =	sld [smem:$0x3FAA]  }
0x30: {  	s3 =	sld [smem:$0x3FAD]  }
0x31: {  	[smem:$0x3FB6] =	sst s10  }
0x32: {  	s10 =	sld [smem:$0x3FB4];
	_ =	sdelay $0x3  }
0x33: {  	p0 =	seq.s32 s10, $0x1;
	s10 =	sld [smem:$0x3FB6];
	_ =	sdelay $0x3  }
0x34: {  	[smem:$0x3FB6] =	sst s10  }
0x35: {  	s10 =	sld [smem:$0x3FB5];
	_ =	sdelay $0x3  }
0x36: {  	p1 =	seq.s32 s10, $0x1;
	s10 =	sld [smem:$0x3FB6];
	_ =	sdelay $0x3  }
0x37: {  	[smem:$0x3FB6] =	sst s10  }
0x38: {  	s10 =	sld [smem:$0x3FB7]  }
0x39: {  	_ = 	snop;
	(pc) =	sbr.ind lr, $3  }
0x3a: {  	_ = 	snop  }
0x3b: {  	_ = 	snop  }
0x3c: {  	p2 =	seq.s32 s10, $0x1;
	s10 =	sld [smem:$0x3FB6]  }
0x3d: {  	_ =	shalt  }
0x3e: {  	_ =	shalt  }
0x3f: {  	_ =	shalt  }
0x40: {  	_ =	shalt  }
0x41: {  	_ =	shalt  }
0x42: {  	_ =	shalt  }
0x43: {  	_ =	shalt  }
0x44: {  	_ =	shalt  }
0x45: {  	_ =	shalt  }
0x46: {  	_ =	shalt  }
0x47: {  	_ =	shalt  }
0x48: {  	_ =	shalt  }
0x49: {  	_ =	shalt  }
0x4a: {  	_ =	shalt  }
0x4b: {  	_ =	shalt  }
0x4c: {  	_ =	shalt  }
0x4d: {  	_ =	shalt  }
0x4e: {  	_ =	shalt  }
0x4f: {  	_ =	shalt  }
0x50: {  	_ =	shalt  }
0x51: {  	_ =	shalt  }
0x52: {  	_ =	shalt  }
0x53: {  	_ =	shalt  }
0x54: {  	_ =	shalt  }
0x55: {  	_ =	shalt  }
0x56: {  	_ =	shalt  }
0x57: {  	_ =	shalt  }
0x58: {  	_ =	shalt  }
0x59: {  	_ =	shalt  }
0x5a: {  	_ =	shalt  }
0x5b: {  	_ =	shalt  }
0x5c: {  	_ =	shalt  }
0x5d: {  	_ =	shalt  }
0x5e: {  	_ =	shalt  }
0x5f: {  	_ =	shalt  }
0x60: {  	_ =	shalt  }
0x61: {  	_ =	shalt  }
0x62: {  	_ =	shalt  }
0x63: {  	_ =	shalt  }
0x64: {  	_ =	shalt  }
0x65: {  	_ =	shalt  }
0x66: {  	_ =	shalt  }
0x67: {  	_ =	shalt  }
0x68: {  	_ =	shalt  }
0x69: {  	_ =	shalt  }
0x6a: {  	_ =	shalt  }
0x6b: {  	_ =	shalt  }
0x6c: {  	_ =	shalt  }
0x6d: {  	_ =	shalt  }
0x6e: {  	_ =	shalt  }
0x6f: {  	_ =	shalt  }
0x70: {  	_ =	shalt  }
0x71: {  	_ =	shalt  }
0x72: {  	_ =	shalt  }
0x73: {  	_ =	shalt  }
0x74: {  	_ =	shalt  }
0x75: {  	_ =	shalt  }
0x76: {  	_ =	shalt  }
0x77: {  	_ =	shalt  }
0x78: {  	_ =	shalt  }
0x79: {  	_ =	shalt  }
0x7a: {  	_ =	shalt  }
0x7b: {  	_ =	shalt  }
0x7c: {  	_ =	shalt  }
0x7d: {  	_ =	shalt  }
0x7e: {  	_ =	shalt  }
0x7f: {  	_ =	shalt  }
0x80: {  	_ =	shalt  }
0x81: {  	_ =	shalt  }
0x82: {  	_ =	shalt  }
0x83: {  	_ =	shalt  }
0x84: {  	_ =	shalt  }
0x85: {  	_ =	shalt  }
0x86: {  	_ =	shalt  }
0x87: {  	_ =	shalt  }
.Lfunc_end0:
.L_simem_size_0:
called_computation.1_lowered:
.L_overlay_start_0:
0x88: {  	s2 =	sld [smem:$0x3FD9]  }
0x89: {  	s3 =	sld [smem:$0x3FFE];
	_ =	sdelay $0x1  }
0x8a: {  	s1 =	srdreg.scid  }
0x8b: {  	s0 =	sand.u32 $0x1, s1  }
0x8c: {  	s17 =	sshll.u32 s0, $0xA;
	s2 =	sadd.s32 s3, s2  }
0x8d: {  	s2 =	sadd.s32 s2, s17  }
0x8e: {  	[smem:$0x3FC2] =	sst s2  }
0x8f: {  	_ = 	snop  }
0x90: {  	s2 =	sld [smem:$0x3FD0];
	(tm) =	ssettm $0x1  }
0x91: {  	s18 =	sld [smem:$0x3FFB];
	_ =	sdelay $0x3  }
0x92: {  	_ =	strace s18  }
0x93: {  	s3 =	sld [smem:$0x3FFC];
	_ =	sdelay $0x3  }
0x94: {  	_ =	strace s3  }
0x95: {  	s3 =	sld [smem:$0x3FFD];
	_ =	sdelay $0x3  }
0x96: {  	_ =	strace s3  }
0x97: {  	_ =	strace $0x8FFFFFFF  }
0x98: {  	s19 =	sld [smem:$0x3FDB];
	_ =	sdelay $0x1  }
0x99: {  	s4 =	simm.s32 $_scs_section_size  }
0x9a: {  	s5 =	simm.s32 $_size__tile_overlayer_lowered;
	s6 =	simm.s32 $_tile_overlayer_lowered  }
0x9b: {  	s22 =	simm.s32 $0x1BFF;
	s21 =	sshll.u32 s6, $0x1;
	s3 =	sadd.s32 s4, s19  }
0x9c: {  	s7 =	simm.s32 $0x0;
	s20 =	sshll.u32 s5, $0x1;
	s5 =	sadd.s32 s21, s3  }
0x9d: {  	[timem:s7], [sflag:s22] =	dma.local [hbm:s5], s20  }
0x9e: {  	_ =	swait.ge [sflag:s22], s20  }
0x9f: {  	s4 =	ssub.s32 $0x0, s20;
	[sflag:s22] =	ssyncset.done $0x0  }
0xa0: {  	[sflag:s22] =	ssyncadd.s32 s4;
	_ =	sdelay $0x1  }
0xa1: {  	s23 =	simm.s32 $0x1B8B  }
0xa2: {  	_ =	swait.ge [sflag:s23], $0x1  }
0xa3: {  	[sflag:s23] =	ssyncset.done $0x0  }
0xa4: {  	s25 =	simm.s32 $0x1B8E;
	s24 =	sld [smem:$0x3FFE];
	[sflag:s23] =	ssyncadd.s32 $0xFFFFFFFF  }
0xa5: {  	s26 =	simm.s32 $execute0_lowered;
	[smem:$0x3FD2] =	sst s25  }
0xa6: {  	s5 =	sshll.u32 s26, $0x1;
	_ =	strace $0x80000049;
	[dreg:$0x1] =	wrdreg $0xFFFFFFFF  }
0xa7: {  	s28 =	simm.s32 $_size_execute0_lowered;
	s3 =	sadd.s32 s3, s5;
	[dreg:$0x0] =	wrdreg $0x0  }
0xa8: {  	s5 =	sshll.u32 s28, $0x1;
	[dreg:$0x2] =	wrdreg s3  }
0xa9: {  	[dreg:$0x3] =	wrdreg s5  }
0xaa: {  	[dreg:$0x4] =	wrdreg $0xC0  }
0xab: {  	_ =	task [dreg:s7], $0x5FFFF  }
0xac: {  	[dreg:$0x1] =	wrdreg $0xFFFFFFFF  }
0xad: {  	[dreg:$0x0] =	wrdreg $0x60  }
0xae: {  	[dreg:$0x2] =	wrdreg s2  }
0xaf: {  	[dreg:$0x3] =	wrdreg s24  }
0xb0: {  	[dreg:$0x4] =	wrdreg $0x90000  }
0xb1: {  	[dreg:$0x5] =	wrdreg $0x9  }
0xb2: {  	_ =	task.clear_ibuf [dreg:s7], $0x6FFFF;
	_ =	strace $0x90000049  }
0xb3: {  	s29 =	simm.s32 $0x9;
	_ =	strace $0x8000004B  }
0xb4: {  	_ =	swait.ge [sflag:s29], $0x1  }
0xb5: {  	[sflag:s29] =	ssyncadd.s32 $0xFFFFFFFF  }
0xb6: {  	_ =	strace $0x9000004B  }
0xb7: {  	_ =	sfence  }
0xb8: {  	s30 =	sld [smem:$0x0];
	_ =	sdelay $0x2  }
0xb9: {  	s31 =	sshll.u32 s1, $0xD;
	s1 =	sshrl.u32 s1, $0x2  }
0xba: {  	s3 =	sand.u32 $0x4000, s31;
	s1 =	sadd.s32 s1, s30  }
0xbb: {  	s0 =	sor.u32 s3, s0;
	s1 =	sshll.u32 s1, $0x11  }
0xbc: {  	s0 =	sor.u32 s1, s0  }
0xbd: {  	s0 =	sadd.s32 $0x8F2B, s0  }
0xbe: {  	[sflag:s0] =	ssyncadd.remote.s32 $0x1  }
0xbf: {  	_ =	sfence.sel $0xFFFF  }
0xc0: {  	[dreg:$0x0] =	wrdreg $0xFFFFFFFF;
	(pc) =	sbr.abs _section_cstart, $3  }
0xc1: {  	[dreg:$0x1] =	wrdreg $0xFFFFFFFF  }
0xc2: {  	_ =	task.clear_ibuf [dreg:s7], $0x2FFFF;
	_ =	strace $0x9FFFFFFF  }
0xc3: {  	(tm) =	ssettm $0x7FFFFFFF  }
tec
execute0_lowered:
.L_overlay_start_1:
0x0: {  	(tag) =	ssettag $0x1  }
0x1: {  	s1 =	rddreg [dreg:$0x0]  }
0x2: {  	s6 =	rddreg [dreg:$0x1];
	s0 =	stileid.u32  }
0x3: {  	s3 =	rddreg [dreg:$0x2];
	s8 =	smul.u32 $0x50000, s0  }
0x4: {  	s4 =	simm.s32 $0x0;
	s5 =	srdreg.scid;
	s12 =	smul.u32 $0x2800, s0  }
0x5: {  	s19 =	simm.s32 $0x2;
	s20 =	simm.s32 $0xF80;
	s25 =	smul.u32 $0x5000, s0  }
0x6: {  	s21 =	simm.s32 $0x5000;
	s22 =	simm.s32 $0x0;
	s28 =	smul.u32 $0x14000, s0  }
0x7: {  	[smem:$0x7FF] =	sst s4;
	s7 =	sand.u32 $0x1, s5;
	s30 =	smul.u32 $0xA, s0  }
0x8: {  	s5 =	sadd.s32 $0x2200, s6;
	s13 =	sadd.s32 $0x16200, s6;
	s10 =	smul.u32 $0x27100, s7  }
0x9: {  	s16 =	sadd.s32 $0x12C000, s3;
	p0 =	seq.s32 s0, $0xF;
	s24 =	smul.u32 $0x138800, s7  }
0xa: {  	_ =	strace $0x8000004A;
	s9 =	ssub.s32 $0x2, s7;
	s6 =	smul.u32 $0x50000, s7  }
0xb: {  	s11 =	sshrl.u32 s9, $0x1;
	s8 =	sshrl.u32 s8, $0x2;
	[dreg:$0x4] =	wrdreg s30  }
0xc: {  	s14 =	ssub.s32 s9, s11;
	s10 =	sadd.s32 s12, s10;
	s15 =	sadd.s32 s8, s3  }
0xd: {  	s26 =	sshrl.u32 s24, $0x3;
	s17 =	sadd.s32 s25, s6;
	s11 =	sadd.s32 s28, s24  }
0xe: {  	s7 =	sadd.s32 s1, s10;
	s29 =	sadd.s32 $0x25800, s26;
	s17 =	sshrl.u32 s17, $0x3  }
0xf: {  	s31 =	sshrl.u32 s11, $0x3;
	s12 =	smax.u32 s14, $0x1;
	s14 =	sshll.u32 @!p0 s0, $0x6  }
0x10: {  	s15 =	sshrl.u32 @!p0 s15, $0x3;
	s8 =	sadd.s32 s1, s29;
	s9 =	sadd.s32 s5, s17  }
0x11: {  	s10 =	sadd.s32 s13, s31;
	s11 =	sadd.s32 s13, s29;
	s13 =	sshrl.u32 @p0 s16, $0x3  }
0x12: {  	s14 =	sor.u32 @!p0 $0x1C03, s14;
	s16 =	simm.s32 $0x3;
	s17 =	simm.s32 $0x80  }
.LBB2_1:
0x13: {  	s23 =	simm.s32 @p0 $0x1FC3  }
0x14: {  	[spmem:s13], [sflag:s23] =	dma.local @p0 [hbm:s8], $0x1900  }
0x15: {  	s23 =	simm.s32 @p0 $0x3  }
0x16: {  	_ =	swait.ge @p0 [sflag:s23], $0x1900  }
0x17: {  	[sflag:s23] =	ssyncset.done @p0 $0x0  }
0x18: {  	[sflag:s23] =	ssyncadd.s32 @p0 $0xFFFFE700;
	s23 =	simm.s32 @!p0 $0x3  }
0x19: {  	[spmem:s15], [sflag:s14] =	dma.local @!p0 [hbm:s7], $0x2800  }
0x1a: {  	_ =	swait.ge @!p0 [sflag:s23], $0x2800  }
0x1b: {  	[sflag:s23] =	ssyncset.done @!p0 $0x0  }
0x1c: {  	[sflag:s23] =	ssyncadd.s32 @!p0 $0xFFFFD800  }
0x1d: {  	[tilespmem:s4], [sflag:$0x3] =	stream.linear.gather [hbm4b:s9+s4], $0x800, $0x38;
	[tilespmem:$0x1D000] =	vst v63  }
0x1e: {  	_ =	swait.ge [sflag:s16], $0x800  }
0x1f: {  	[sflag:s16] =	ssyncset.done $0x0  }
0x20: {  	s0 =	simm.s32 $0x1000;
	[sflag:s16] =	ssyncadd.s32 $0xFFFFF800  }
0x21: {  	[tilespmem:s0], [sflag:$0x1] =	stream.indirect.gather [hbm4b:s1+s17], $0x80, s4, s17, $0xb8;
	[tilespmem:$0x1D000] =	vst v63  }
0x22: {  	s0 =	simm.s32 $0x1  }
0x23: {  	s26 =	simm.s32 $0x0;
	[bflag:$0x0] =	sbarrier.arrive $0xFFFF;
	s25 =	sand.u32 $0x7, s0  }
0x24: {  	s2 =	simm.s32 $0x0;
	s24 =	rddreg [dreg:$0x4];
	p1 =	seq.s32 s25, $0x0  }
0x25: {  	s26 =	sand.u32 $0x1, s26;
	s23 =	sand.u32 $0x1, s0;
	s24 =	sadd.s32 @p1 $0x0, s24  }
0x26: {  	s25 =	sshll.u32 s25, $0x8;
	s18 =	sshll.u32 s23, $0xE;
	s24 =	sshll.u32 @p1 s24, $0xB  }
0x27: {  	s28 =	sshll.u32 @p1 s26, $0xD;
	s26 =	sshll.u32 @!p1 s26, $0xD;
	s24 =	sadd.s32 @p1 s6, s24  }
0x28: {  	s29 =	simm.s32 @p1 $0x0;
	s30 =	simm.s32 @p1 $0x3;
	s24 =	sshrl.u32 @p1 s24, $0x3  }
0x29: {  	s26 =	smov.u32 @p1 s28;
	s28 =	sshrl.u32 @p1 s28, $0x2;
	s24 =	sadd.s32 @p1 s5, s24  }
0x2a: {  	[tilespmem:s28], [sflag:$0x3] =	stream.linear.gather @p1 [hbm4b:s24+s29], $0x800, $0x38;
	[tilespmem:$0x1D000] =	vst v63  }
0x2b: {  	s23 =	sadd.s32 $0x1, s23;
	s26 =	sshrl.u32 s26, $0x2;
	_ =	swait.ge @p1 [sflag:s30], $0x800  }
0x2c: {  	s25 =	sadd.s32 s25, s26;
	s24 =	sand.u32 $0x1, s2;
	[sflag:s30] =	ssyncset.done @p1 $0x0  }
0x2d: {  	s29 =	sor.u32 $0x1000, s18;
	[sflag:s30] =	ssyncadd.s32 @p1 $0xFFFFF800;
	s30 =	sadd.s32 $0x1, s24  }
0x2e: {  	[tilespmem:s29], [sflag:s23] =	stream.indirect.gather [hbm4b:s1+s17], $0x80, s25, s17, $0xb8;
	[tilespmem:$0x1D000] =	vst v63  }
0x2f: {  	s31 =	sand.u32 $0x3C00, s4;
	s24 =	sshll.u32 s24, $0xE;
	_ =	swait.ge [sflag:s30], $0x4000  }
0x30: {  	s23 =	sshrl.u32 s31, $0x2;
	s24 =	sor.u32 $0x1000, s24;
	[sflag:s30] =	ssyncset.done $0x0  }
0x31: {  	s25 =	simm.s32 $0x3;
	s23 =	sor.u32 $0x80, s23;
	[sflag:s30] =	ssyncadd.s32 $0xFFFFC000  }
0x32: {  	[spmem:s3] =	stream.indirect.scatter.add.f32 [tilespmem:s24], [sflag:$0x3], $0x80, s23, s17, $0xb8;
	[tilespmem:$0x1D000] =	vst v63  }
0x33: {  	s24 =	simm.s32 $0x2;
	s23 =	simm.s32 $0x400;
	_ =	swait.ge [sflag:s16], $0x4000  }
.LBB2_2:
0x34: {  	s26 =	rddreg [dreg:$0x4]  }
0x35: {  	[sflag:s16] =	ssyncset.done $0x0;
	s28 =	smov.u32 s25;
	s29 =	sand.u32 $0x7, s24  }
0x36: {  	s25 =	sadd.s32 $0x1, s25;
	s30 =	sshrl.u32 s24, $0x3;
	p2 =	seq.s32 s29, $0x0  }
0x37: {  	p1 =	sne.s32 s25, $0x50;
	s31 =	sand.u32 $0x1, s30;
	s26 =	sadd.s32 @p2 s26, s30  }
0x38: {  	[sflag:s16] =	ssyncadd.s32 $0xFFFFC000;
	s30 =	sshll.u32 @p2 s31, $0xD;
	s26 =	sshll.u32 @p2 s26, $0xB  }
0x39: {  	s31 =	sshll.u32 @!p2 s31, $0xD;
	s2 =	simm.s32 @p2 $0x0;
	s26 =	sadd.s32 @p2 s6, s26  }
0x3a: {  	s18 =	simm.s32 @p2 $0x3;
	s31 =	smov.u32 @p2 s30;
	s26 =	sshrl.u32 @p2 s26, $0x3  }
0x3b: {  	s0 =	sshrl.u32 @p2 s30, $0x2;
	s30 =	sshrl.u32 s31, $0x2;
	s26 =	sadd.s32 @p2 s5, s26  }
0x3c: {  	[tilespmem:s0], [sflag:$0x3] =	stream.linear.gather @p2 [hbm4b:s26+s2], $0x800, $0x38;
	[tilespmem:$0x1D000] =	vst v63  }
0x3d: {  	s0 =	sadd.s32 $0xFFFFFFFF, s24;
	s2 =	sand.u32 $0x1, s24;
	s26 =	sshll.u32 s29, $0x8  }
0x3e: {  	_ =	swait.ge @p2 [sflag:s18], $0x800;
	s0 =	sand.u32 $0x1, s0;
	s29 =	sshll.u32 s2, $0xE  }
0x3f: {  	s24 =	sadd.s32 s26, s30;
	s2 =	sadd.s32 $0x1, s2;
	[sflag:s18] =	ssyncset.done @p2 $0x0  }
0x40: {  	s30 =	sadd.s32 $0x1, s0;
	[sflag:s18] =	ssyncadd.s32 @p2 $0xFFFFF800;
	s18 =	sor.u32 $0x1000, s29  }
0x41: {  	[tilespmem:s18], [sflag:s2] =	stream.indirect.gather [hbm4b:s1+s17], $0x80, s24, s17, $0xb8;
	[tilespmem:$0x1D000] =	vst v63  }
.Ltmp0:
0x42: {  	s31 =	sand.u32 $0x3C00, s23;
	_ =	swait.ge [sflag:s30], $0x4000;
	(pc) =	sbr.rel @p1 .LBB2_2-.Ltmp0, $4  }
0x43: {  	s31 =	sshrl.u32 s31, $0x2;
	s0 =	sshll.u32 s0, $0xE;
	[sflag:s30] =	ssyncset.done $0x0  }
0x44: {  	s0 =	sor.u32 $0x1000, s0;
	s2 =	sor.u32 $0x80, s31;
	[sflag:s30] =	ssyncadd.s32 $0xFFFFC000  }
0x45: {  	[spmem:s3] =	stream.indirect.scatter.add.f32 [tilespmem:s0], [sflag:$0x3], $0x80, s2, s17, $0xb8;
	[tilespmem:$0x1D000] =	vst v63  }
0x46: {  	s23 =	sadd.s32 $0x400, s23;
	s24 =	smov.u32 s28;
	_ =	swait.ge [sflag:s16], $0x4000  }
0x47: {  	s0 =	rddreg [dreg:$0x4]  }
0x48: {  	s2 =	sand.u32 $0x7, s24;
	s18 =	sshrl.u32 s24, $0x3;
	[sflag:s16] =	ssyncset.done $0x0  }
0x49: {  	s29 =	sand.u32 $0x1, s24;
	p1 =	seq.s32 s2, $0x0;
	s25 =	sand.u32 $0x1, s18  }
0x4a: {  	[sflag:s16] =	ssyncadd.s32 $0xFFFFC000;
	s2 =	sshll.u32 s2, $0x8;
	s0 =	sadd.s32 @p1 s0, s18  }
0x4b: {  	s18 =	sshll.u32 @p1 s25, $0xD;
	s25 =	sshll.u32 @!p1 s25, $0xD;
	s0 =	sshll.u32 @p1 s0, $0xB  }
0x4c: {  	s26 =	simm.s32 @p1 $0x0;
	s25 =	smov.u32 @p1 s18;
	s0 =	sadd.s32 @p1 s6, s0  }
0x4d: {  	s28 =	simm.s32 @p1 $0x3;
	s25 =	sshrl.u32 s25, $0x2;
	s0 =	sshrl.u32 @p1 s0, $0x3  }
0x4e: {  	s18 =	sshrl.u32 @p1 s18, $0x2;
	s2 =	sadd.s32 s2, s25;
	s0 =	sadd.s32 @p1 s5, s0  }
0x4f: {  	[tilespmem:s18], [sflag:$0x3] =	stream.linear.gather @p1 [hbm4b:s0+s26], $0x800, $0x38;
	[tilespmem:$0x1D000] =	vst v63  }
0x50: {  	s26 =	sadd.s32 $0xFFFFFFFF, s24;
	s24 =	sshll.u32 s29, $0xE;
	_ =	swait.ge @p1 [sflag:s28], $0x800  }
0x51: {  	s18 =	sadd.s32 $0x1, s29;
	s0 =	sand.u32 $0x1, s26;
	[sflag:s28] =	ssyncset.done @p1 $0x0  }
0x52: {  	s24 =	sor.u32 $0x1000, s24;
	s30 =	sadd.s32 $0x1, s0;
	[sflag:s28] =	ssyncadd.s32 @p1 $0xFFFFF800  }
0x53: {  	[tilespmem:s24], [sflag:s18] =	stream.indirect.gather [hbm4b:s1+s17], $0x80, s2, s17, $0xb8;
	[tilespmem:$0x1D000] =	vst v63  }
0x54: {  	s31 =	sand.u32 $0x3C00, s23;
	_ =	swait.ge [sflag:s30], $0x4000  }
0x55: {  	s0 =	sshll.u32 s0, $0xE;
	s2 =	sshrl.u32 s31, $0x2;
	[sflag:s30] =	ssyncset.done $0x0  }
0x56: {  	s0 =	sor.u32 $0x1000, s0;
	s2 =	sor.u32 $0x80, s2;
	[sflag:s30] =	ssyncadd.s32 $0xFFFFC000  }
0x57: {  	[spmem:s3] =	stream.indirect.scatter.add.f32 [tilespmem:s0], [sflag:$0x3], $0x80, s2, s17, $0xb8;
	[tilespmem:$0x1D000] =	vst v63  }
0x58: {  	_ =	swait.ge [sflag:s16], $0x4000  }
0x59: {  	[sflag:s16] =	ssyncset.done $0x0  }
0x5a: {  	[sflag:s16] =	ssyncadd.s32 $0xFFFFC000  }
0x5b: {  	_ =	swait.ge [sflag:s19], $0x4000  }
0x5c: {  	[sflag:s19] =	ssyncset.done $0x0  }
0x5d: {  	[sflag:s19] =	ssyncadd.s32 $0xFFFFC000  }
0x5e: {  	[spmem:s3] =	stream.indirect.scatter.add.f32 [tilespmem:s21], [sflag:$0x3], $0x80, s20, s17, $0xb8;
	[tilespmem:$0x1D000] =	vst v63  }
0x5f: {  	_ =	swait.ge [sflag:s16], $0x4000  }
0x60: {  	[sflag:s16] =	ssyncset.done $0x0  }
0x61: {  	[sflag:s16] =	ssyncadd.s32 $0xFFFFC000  }
0x62: {  	s0 =	simm.s32 @p0 $0x1FC3;
	[bflag:$0x0] =	sbarrier.arrive $0xFFFF  }
0x63: {  	[hbm:s11], [sflag:s0] =	dma.local @p0 [spmem:s13], $0x1900  }
0x64: {  	s0 =	simm.s32 @p0 $0x3  }
0x65: {  	s22 =	sadd.s32 $0x1, s22;
	_ =	swait.ge @p0 [sflag:s0], $0x1900  }
0x66: {  	p1 =	sne.s32 s22, s12;
	[sflag:s0] =	ssyncset.done @p0 $0x0  }
.Ltmp1:
0x67: {  	[sflag:s0] =	ssyncadd.s32 @p0 $0xFFFFE700;
	s0 =	simm.s32 @!p0 $0x3;
	(pc) =	sbr.rel @p1 .LBB2_1-.Ltmp1, $4  }
0x68: {  	[hbm:s10], [sflag:s14] =	dma.local @!p0 [spmem:s15], $0x2800  }
0x69: {  	_ =	swait.ge @!p0 [sflag:s0], $0x2800  }
0x6a: {  	[sflag:s0] =	ssyncset.done @!p0 $0x0  }
0x6b: {  	[sflag:s0] =	ssyncadd.s32 @!p0 $0xFFFFD800  }
0x6c: {  	_ =	sfence.sel $0x180000  }
0x6d: {  	[bflag:$0x0] =	sbarrier.arrive $0xFFFF  }
0x6e: {  	_ =	strace $0x9000004A  }
0x6f: {  	s0 =	stileid.u32;
	[bflag:$0x2] =	sbarrier.arrive $0xFFFF  }
0x70: {  	p0 =	sne.s32 s0, $0x0;
	s0 =	rddreg [dreg:$0x3]  }
0x71: {  	s0 =	sadd.s32 @!p0 $0x100000, s0  }
0x72: {  	[sflag:s0] =	ssyncadd.tile.s32 @!p0 $0x1;
	_ =	shalt  }
.Lfunc_end2:
_tile_overlayer_lowered:
.L_overlay_start_2:
0x73: {  	(tag) =	ssettag $0x2  }
0x74: {  	s0 =	rddreg [dreg:$0x0];
	s2 =	stileid.u32  }
0x75: {  	s1 =	rddreg [dreg:$0x1];
	p0 =	sne.s32 s2, $0x0  }
0x76: {  	s3 =	rddreg [dreg:$0x2];
	[bflag:$0x3] =	sbarrier.arrive $0xFFFF;
	s2 =	simm.s32 @!p0 $0x1C03  }
0x77: {  	[timem:s3], [sflag:s2] =	dma.local @!p0 [hbm:s0], s1  }
0x78: {  	s0 =	simm.s32 @!p0 $0x3  }
0x79: {  	_ =	swait.ge @!p0 [sflag:s0], s1  }
0x7a: {  	s1 =	ssub.s32 @!p0 $0x0, s1;
	[sflag:s0] =	ssyncset.done @!p0 $0x0  }
0x7b: {  	[sflag:s0] =	ssyncadd.s32 @!p0 s1  }
0x7c: {  	[bflag:$0x3] =	sbarrier.arrive $0xFFFF  }
0x7d: {  	_ =	shalt  }

// kernel: kernel.14.cloned.1.call-start
scs
__scs_entry_jumppad:
0x0: {  	(pc) =	sbr.rel $0x88, $3  }
0x1: {  	(tag) =	ssettag $0x0;
	lr =	simm.s32 $0x1  }
0x2: {  	[smem:$0x3F9B] =	sst lr;
	_ =	strace $0xD0000000  }
0x3: {  	_ = 	snop  }
0x4: {  	_ = 	snop  }
0x5: {  	_ = 	snop  }
0x6: {  	_ = 	snop  }
0x7: {  	_ = 	snop  }
__scs_overlays_trampoline_lowered:
0x8: {  	[smem:$0x3FAA] =	sst s0  }
0x9: {  	[smem:$0x3FAB] =	sst s1  }
0xa: {  	[smem:$0x3FAC] =	sst s2  }
0xb: {  	[smem:$0x3FAD] =	sst s3  }
0xc: {  	[smem:$0x3FAE] =	sst s4  }
0xd: {  	[smem:$0x3FAF] =	sst s5  }
0xe: {  	[smem:$0x3FB0] =	sst s6  }
0xf: {  	[smem:$0x3FB1] =	sst s7  }
0x10: {  	[smem:$0x3FB2] =	sst s8  }
0x11: {  	[smem:$0x3FB3] =	sst s9;
	s0 =	simm.s32 @!p0 $0x0  }
0x12: {  	s1 =	sld [smem:$0x3F99];
	s0 =	simm.s32 @p0 $0x1  }
0x13: {  	[smem:$0x3FB4] =	sst s0;
	s0 =	simm.s32 @!p1 $0x0  }
0x14: {  	s2 =	sld [smem:$0x3F98];
	s0 =	simm.s32 @p1 $0x1  }
0x15: {  	[smem:$0x3FB5] =	sst s0;
	s0 =	simm.s32 @!p2 $0x0  }
0x16: {  	s3 =	sld [smem:$0x3FDB];
	s0 =	simm.s32 @p2 $0x1  }
0x17: {  	s4 =	simm.s32 $0x1BF5;
	[smem:$0x3FB7] =	sst s0  }
0x18: {  	s0 =	sld [smem:$0x3F9A];
	_ =	swait.ge [sflag:s4], $0x0  }
0x19: {  	s7 =	sld [smem:$0x3F9B]  }
0x1a: {  	s8 =	sadd.s32 $0xFFFFE003, lr  }
0x1b: {  	s9 =	sadd.s32 $0xFFFFFEF7, lr;
	s5 =	simm.s32 $0xFFFFFFFF;
	p2 =	slt.u32 s8, $0xFFFFF086  }
0x1c: {  	p1 =	slt.u32 s9, $0xF7A;
	s5 =	simm.s32 @!p2 $0x0  }
0x1d: {  	s5 =	simm.s32 @p1 $0x1;
	p0 =	seq.s32 s7, s2  }
0x1e: {  	s7 =	smul.u32 @!p0 $0xF7A, s2;
	p2 =	seq.s32 @!p0 s5, $0x0  }
0x1f: {  	s9 =	smul.u32 $0xF7A, s1;
	s8 =	simm.s32 @!p0 $0x1BF5;
	p2 =	por !p2, p0  }
0x20: {  	[sflag:s8] =	ssyncset.s32 @!p0 $0xFFFFF086;
	s6 =	sadd.s32 @!p0 s3, s7;
	s7 =	simm.s32 @!p0 $0x108  }
0x21: {  	s3 =	sadd.s32 s3, s9;
	s6 =	sadd.s32 @!p0 $0x88, s6;
	s7 =	simm.s32 @p2 $0x1082  }
0x22: {  	[simem:s7], [sflag:s8] =	dma.local @!p0 [hbm:s6], $0xF7A  }
0x23: {  	s9 =	sor.u32 $0xD0000000, s2;
	s6 =	simm.s32 $0x108;
	_ =	swait.ge @!p0 [sflag:s8], $0x0  }
0x24: {  	s3 =	sadd.s32 $0x88, s3;
	s6 =	simm.s32 @!p1 $0x1082;
	[sflag:s4] =	ssyncset.s32 $0xFFFFF086  }
0x25: {  	[simem:s6], [sflag:s4] =	dma.local [hbm:s3], $0xF7A  }
0x26: {  	[smem:$0x3F9B] =	sst s1;
	(tag) =	ssettag s2;
	_ =	strace s9  }
0x27: {  	s1 =	sld [smem:$0x3FAB]  }
0x28: {  	s2 =	sld [smem:$0x3FAC]  }
0x29: {  	s4 =	sld [smem:$0x3FAE]  }
0x2a: {  	p0 =	seq.s32 s5, $0x0;
	s5 =	sld [smem:$0x3FAF]  }
0x2b: {  	s6 =	sld [smem:$0x3FB0]  }
0x2c: {  	s7 =	sld [smem:$0x3FB1]  }
0x2d: {  	s3 =	simm.s32 $0x108;
	s8 =	sld [smem:$0x3FB2]  }
0x2e: {  	s3 =	simm.s32 @!p0 $0x1082;
	s9 =	sld [smem:$0x3FB3]  }
0x2f: {  	lr =	sadd.s32 s0, s3;
	s0 =	sld [smem:$0x3FAA]  }
0x30: {  	s3 =	sld [smem:$0x3FAD]  }
0x31: {  	[smem:$0x3FB6] =	sst s10  }
0x32: {  	s10 =	sld [smem:$0x3FB4];
	_ =	sdelay $0x3  }
0x33: {  	p0 =	seq.s32 s10, $0x1;
	s10 =	sld [smem:$0x3FB6];
	_ =	sdelay $0x3  }
0x34: {  	[smem:$0x3FB6] =	sst s10  }
0x35: {  	s10 =	sld [smem:$0x3FB5];
	_ =	sdelay $0x3  }
0x36: {  	p1 =	seq.s32 s10, $0x1;
	s10 =	sld [smem:$0x3FB6];
	_ =	sdelay $0x3  }
0x37: {  	[smem:$0x3FB6] =	sst s10  }
0x38: {  	s10 =	sld [smem:$0x3FB7]  }
0x39: {  	_ = 	snop;
	(pc) =	sbr.ind lr, $3  }
0x3a: {  	_ = 	snop  }
0x3b: {  	_ = 	snop  }
0x3c: {  	p2 =	seq.s32 s10, $0x1;
	s10 =	sld [smem:$0x3FB6]  }
0x3d: {  	_ =	shalt  }
0x3e: {  	_ =	shalt  }
0x3f: {  	_ =	shalt  }
0x40: {  	_ =	shalt  }
0x41: {  	_ =	shalt  }
0x42: {  	_ =	shalt  }
0x43: {  	_ =	shalt  }
0x44: {  	_ =	shalt  }
0x45: {  	_ =	shalt  }
0x46: {  	_ =	shalt  }
0x47: {  	_ =	shalt  }
0x48: {  	_ =	shalt  }
0x49: {  	_ =	shalt  }
0x4a: {  	_ =	shalt  }
0x4b: {  	_ =	shalt  }
0x4c: {  	_ =	shalt  }
0x4d: {  	_ =	shalt  }
0x4e: {  	_ =	shalt  }
0x4f: {  	_ =	shalt  }
0x50: {  	_ =	shalt  }
0x51: {  	_ =	shalt  }
0x52: {  	_ =	shalt  }
0x53: {  	_ =	shalt  }
0x54: {  	_ =	shalt  }
0x55: {  	_ =	shalt  }
0x56: {  	_ =	shalt  }
0x57: {  	_ =	shalt  }
0x58: {  	_ =	shalt  }
0x59: {  	_ =	shalt  }
0x5a: {  	_ =	shalt  }
0x5b: {  	_ =	shalt  }
0x5c: {  	_ =	shalt  }
0x5d: {  	_ =	shalt  }
0x5e: {  	_ =	shalt  }
0x5f: {  	_ =	shalt  }
0x60: {  	_ =	shalt  }
0x61: {  	_ =	shalt  }
0x62: {  	_ =	shalt  }
0x63: {  	_ =	shalt  }
0x64: {  	_ =	shalt  }
0x65: {  	_ =	shalt  }
0x66: {  	_ =	shalt  }
0x67: {  	_ =	shalt  }
0x68: {  	_ =	shalt  }
0x69: {  	_ =	shalt  }
0x6a: {  	_ =	shalt  }
0x6b: {  	_ =	shalt  }
0x6c: {  	_ =	shalt  }
0x6d: {  	_ =	shalt  }
0x6e: {  	_ =	shalt  }
0x6f: {  	_ =	shalt  }
0x70: {  	_ =	shalt  }
0x71: {  	_ =	shalt  }
0x72: {  	_ =	shalt  }
0x73: {  	_ =	shalt  }
0x74: {  	_ =	shalt  }
0x75: {  	_ =	shalt  }
0x76: {  	_ =	shalt  }
0x77: {  	_ =	shalt  }
0x78: {  	_ =	shalt  }
0x79: {  	_ =	shalt  }
0x7a: {  	_ =	shalt  }
0x7b: {  	_ =	shalt  }
0x7c: {  	_ =	shalt  }
0x7d: {  	_ =	shalt  }
0x7e: {  	_ =	shalt  }
0x7f: {  	_ =	shalt  }
0x80: {  	_ =	shalt  }
0x81: {  	_ =	shalt  }
0x82: {  	_ =	shalt  }
0x83: {  	_ =	shalt  }
0x84: {  	_ =	shalt  }
0x85: {  	_ =	shalt  }
0x86: {  	_ =	shalt  }
0x87: {  	_ =	shalt  }
.Lfunc_end0:
.L_simem_size_0:
called_computation.2_lowered:
.L_overlay_start_0:
0x88: {  	s2 =	sld [smem:$0x3FD9]  }
0x89: {  	s3 =	sld [smem:$0x3FFE];
	_ =	sdelay $0x1  }
0x8a: {  	s1 =	srdreg.scid  }
0x8b: {  	s0 =	sand.u32 $0x1, s1  }
0x8c: {  	s17 =	sshll.u32 s0, $0xA;
	s2 =	sadd.s32 s3, s2  }
0x8d: {  	s2 =	sadd.s32 s2, s17  }
0x8e: {  	[smem:$0x3FC2] =	sst s2  }
0x8f: {  	_ = 	snop  }
0x90: {  	s2 =	sld [smem:$0x3FD0];
	(tm) =	ssettm $0x1  }
0x91: {  	s18 =	sld [smem:$0x3FFB];
	_ =	sdelay $0x3  }
0x92: {  	_ =	strace s18  }
0x93: {  	s3 =	sld [smem:$0x3FFC];
	_ =	sdelay $0x3  }
0x94: {  	_ =	strace s3  }
0x95: {  	s3 =	sld [smem:$0x3FFD];
	_ =	sdelay $0x3  }
0x96: {  	_ =	strace s3  }
0x97: {  	_ =	strace $0x8FFFFFFF  }
0x98: {  	s19 =	sld [smem:$0x3FDB];
	_ =	sdelay $0x1  }
0x99: {  	s4 =	simm.s32 $_scs_section_size  }
0x9a: {  	s5 =	simm.s32 $_size__tile_overlayer_lowered;
	s6 =	simm.s32 $_tile_overlayer_lowered  }
0x9b: {  	s22 =	simm.s32 $0x1BFF;
	s21 =	sshll.u32 s6, $0x1;
	s3 =	sadd.s32 s4, s19  }
0x9c: {  	s7 =	simm.s32 $0x0;
	s20 =	sshll.u32 s5, $0x1;
	s5 =	sadd.s32 s21, s3  }
0x9d: {  	[timem:s7], [sflag:s22] =	dma.local [hbm:s5], s20  }
0x9e: {  	_ =	swait.ge [sflag:s22], s20  }
0x9f: {  	s4 =	ssub.s32 $0x0, s20;
	[sflag:s22] =	ssyncset.done $0x0  }
0xa0: {  	[sflag:s22] =	ssyncadd.s32 s4;
	_ =	sdelay $0x1  }
0xa1: {  	s23 =	simm.s32 $0x1B8B  }
0xa2: {  	_ =	swait.ge [sflag:s23], $0x1  }
0xa3: {  	[sflag:s23] =	ssyncset.done $0x0  }
0xa4: {  	s25 =	simm.s32 $0x1B8E;
	s24 =	sld [smem:$0x3FFE];
	[sflag:s23] =	ssyncadd.s32 $0xFFFFFFFF  }
0xa5: {  	s26 =	simm.s32 $execute0_lowered;
	[smem:$0x3FD2] =	sst s25  }
0xa6: {  	s5 =	sshll.u32 s26, $0x1;
	_ =	strace $0x8000004C;
	[dreg:$0x1] =	wrdreg $0xFFFFFFFF  }
0xa7: {  	s28 =	simm.s32 $_size_execute0_lowered;
	s3 =	sadd.s32 s3, s5;
	[dreg:$0x0] =	wrdreg $0x0  }
0xa8: {  	s5 =	sshll.u32 s28, $0x1;
	[dreg:$0x2] =	wrdreg s3  }
0xa9: {  	[dreg:$0x3] =	wrdreg s5  }
0xaa: {  	[dreg:$0x4] =	wrdreg $0xC0  }
0xab: {  	_ =	task [dreg:s7], $0x5FFFF  }
0xac: {  	[dreg:$0x1] =	wrdreg $0xFFFFFFFF  }
0xad: {  	[dreg:$0x0] =	wrdreg $0x60  }
0xae: {  	[dreg:$0x2] =	wrdreg s2  }
0xaf: {  	[dreg:$0x3] =	wrdreg s24  }
0xb0: {  	[dreg:$0x4] =	wrdreg $0x90000  }
0xb1: {  	[dreg:$0x5] =	wrdreg $0x9  }
0xb2: {  	_ =	task.clear_ibuf [dreg:s7], $0x6FFFF;
	_ =	strace $0x9000004C  }
0xb3: {  	s29 =	simm.s32 $0x9;
	_ =	strace $0x8000004E  }
0xb4: {  	_ =	swait.ge [sflag:s29], $0x1  }
0xb5: {  	[sflag:s29] =	ssyncadd.s32 $0xFFFFFFFF  }
0xb6: {  	_ =	strace $0x9000004E  }
0xb7: {  	_ =	sfence  }
0xb8: {  	s30 =	sld [smem:$0x0];
	_ =	sdelay $0x2  }
0xb9: {  	s31 =	sshll.u32 s1, $0xD;
	s1 =	sshrl.u32 s1, $0x2  }
0xba: {  	s3 =	sand.u32 $0x4000, s31;
	s1 =	sadd.s32 s1, s30  }
0xbb: {  	s0 =	sor.u32 s3, s0;
	s1 =	sshll.u32 s1, $0x11  }
0xbc: {  	s0 =	sor.u32 s1, s0  }
0xbd: {  	s0 =	sadd.s32 $0x8F2B, s0  }
0xbe: {  	[sflag:s0] =	ssyncadd.remote.s32 $0x1  }
0xbf: {  	_ =	sfence.sel $0xFFFF  }
0xc0: {  	[dreg:$0x0] =	wrdreg $0xFFFFFFFF;
	(pc) =	sbr.abs _section_cstart, $3  }
0xc1: {  	[dreg:$0x1] =	wrdreg $0xFFFFFFFF  }
0xc2: {  	_ =	task.clear_ibuf [dreg:s7], $0x2FFFF;
	_ =	strace $0x9FFFFFFF  }
0xc3: {  	(tm) =	ssettm $0x7FFFFFFF  }
tec
execute0_lowered:
.L_overlay_start_1:
0x0: {  	(tag) =	ssettag $0x1  }
0x1: {  	s1 =	rddreg [dreg:$0x0]  }
0x2: {  	s6 =	rddreg [dreg:$0x1];
	s0 =	stileid.u32  }
0x3: {  	s3 =	rddreg [dreg:$0x2];
	s8 =	smul.u32 $0x50000, s0  }
0x4: {  	s4 =	simm.s32 $0x0;
	s5 =	srdreg.scid;
	s12 =	smul.u32 $0x2800, s0  }
0x5: {  	s19 =	simm.s32 $0x2;
	s20 =	simm.s32 $0xF80;
	s25 =	smul.u32 $0x5000, s0  }
0x6: {  	s21 =	simm.s32 $0x5000;
	s22 =	simm.s32 $0x0;
	s28 =	smul.u32 $0x14000, s0  }
0x7: {  	[smem:$0x7FF] =	sst s4;
	s7 =	sand.u32 $0x1, s5;
	s30 =	smul.u32 $0xA, s0  }
0x8: {  	s5 =	sadd.s32 $0x2200, s6;
	s13 =	sadd.s32 $0x16200, s6;
	s10 =	smul.u32 $0x27100, s7  }
0x9: {  	s16 =	sadd.s32 $0x12C000, s3;
	p0 =	seq.s32 s0, $0xF;
	s24 =	smul.u32 $0x138800, s7  }
0xa: {  	_ =	strace $0x8000004D;
	s9 =	ssub.s32 $0x2, s7;
	s6 =	smul.u32 $0x50000, s7  }
0xb: {  	s11 =	sshrl.u32 s9, $0x1;
	s8 =	sshrl.u32 s8, $0x2;
	[dreg:$0x4] =	wrdreg s30  }
0xc: {  	s14 =	ssub.s32 s9, s11;
	s10 =	sadd.s32 s12, s10;
	s15 =	sadd.s32 s8, s3  }
0xd: {  	s26 =	sshrl.u32 s24, $0x3;
	s17 =	sadd.s32 s25, s6;
	s11 =	sadd.s32 s28, s24  }
0xe: {  	s7 =	sadd.s32 s1, s10;
	s29 =	sadd.s32 $0x25800, s26;
	s17 =	sshrl.u32 s17, $0x3  }
0xf: {  	s31 =	sshrl.u32 s11, $0x3;
	s12 =	smax.u32 s14, $0x1;
	s14 =	sshll.u32 @!p0 s0, $0x6  }
0x10: {  	s15 =	sshrl.u32 @!p0 s15, $0x3;
	s8 =	sadd.s32 s1, s29;
	s9 =	sadd.s32 s5, s17  }
0x11: {  	s10 =	sadd.s32 s13, s31;
	s11 =	sadd.s32 s13, s29;
	s13 =	sshrl.u32 @p0 s16, $0x3  }
0x12: {  	s14 =	sor.u32 @!p0 $0x1C03, s14;
	s16 =	simm.s32 $0x3;
	s17 =	simm.s32 $0x80  }
.LBB2_1:
0x13: {  	s23 =	simm.s32 @p0 $0x1FC3  }
0x14: {  	[spmem:s13], [sflag:s23] =	dma.local @p0 [hbm:s8], $0x1900  }
0x15: {  	s23 =	simm.s32 @p0 $0x3  }
0x16: {  	_ =	swait.ge @p0 [sflag:s23], $0x1900  }
0x17: {  	[sflag:s23] =	ssyncset.done @p0 $0x0  }
0x18: {  	[sflag:s23] =	ssyncadd.s32 @p0 $0xFFFFE700;
	s23 =	simm.s32 @!p0 $0x3  }
0x19: {  	[spmem:s15], [sflag:s14] =	dma.local @!p0 [hbm:s7], $0x2800  }
0x1a: {  	_ =	swait.ge @!p0 [sflag:s23], $0x2800  }
0x1b: {  	[sflag:s23] =	ssyncset.done @!p0 $0x0  }
0x1c: {  	[sflag:s23] =	ssyncadd.s32 @!p0 $0xFFFFD800  }
0x1d: {  	[tilespmem:s4], [sflag:$0x3] =	stream.linear.gather [hbm4b:s9+s4], $0x800, $0x38;
	[tilespmem:$0x1D000] =	vst v63  }
0x1e: {  	_ =	swait.ge [sflag:s16], $0x800  }
0x1f: {  	[sflag:s16] =	ssyncset.done $0x0  }
0x20: {  	s0 =	simm.s32 $0x1000;
	[sflag:s16] =	ssyncadd.s32 $0xFFFFF800  }
0x21: {  	[tilespmem:s0], [sflag:$0x1] =	stream.indirect.gather [hbm4b:s1+s17], $0x80, s4, s17, $0xb8;
	[tilespmem:$0x1D000] =	vst v63  }
0x22: {  	s0 =	simm.s32 $0x1  }
0x23: {  	s26 =	simm.s32 $0x0;
	[bflag:$0x0] =	sbarrier.arrive $0xFFFF;
	s25 =	sand.u32 $0x7, s0  }
0x24: {  	s2 =	simm.s32 $0x0;
	s24 =	rddreg [dreg:$0x4];
	p1 =	seq.s32 s25, $0x0  }
0x25: {  	s26 =	sand.u32 $0x1, s26;
	s23 =	sand.u32 $0x1, s0;
	s24 =	sadd.s32 @p1 $0x0, s24  }
0x26: {  	s25 =	sshll.u32 s25, $0x8;
	s18 =	sshll.u32 s23, $0xE;
	s24 =	sshll.u32 @p1 s24, $0xB  }
0x27: {  	s28 =	sshll.u32 @p1 s26, $0xD;
	s26 =	sshll.u32 @!p1 s26, $0xD;
	s24 =	sadd.s32 @p1 s6, s24  }
0x28: {  	s29 =	simm.s32 @p1 $0x0;
	s30 =	simm.s32 @p1 $0x3;
	s24 =	sshrl.u32 @p1 s24, $0x3  }
0x29: {  	s26 =	smov.u32 @p1 s28;
	s28 =	sshrl.u32 @p1 s28, $0x2;
	s24 =	sadd.s32 @p1 s5, s24  }
0x2a: {  	[tilespmem:s28], [sflag:$0x3] =	stream.linear.gather @p1 [hbm4b:s24+s29], $0x800, $0x38;
	[tilespmem:$0x1D000] =	vst v63  }
0x2b: {  	s23 =	sadd.s32 $0x1, s23;
	s26 =	sshrl.u32 s26, $0x2;
	_ =	swait.ge @p1 [sflag:s30], $0x800  }
0x2c: {  	s25 =	sadd.s32 s25, s26;
	s24 =	sand.u32 $0x1, s2;
	[sflag:s30] =	ssyncset.done @p1 $0x0  }
0x2d: {  	s29 =	sor.u32 $0x1000, s18;
	[sflag:s30] =	ssyncadd.s32 @p1 $0xFFFFF800;
	s30 =	sadd.s32 $0x1, s24  }
0x2e: {  	[tilespmem:s29], [sflag:s23] =	stream.indirect.gather [hbm4b:s1+s17], $0x80, s25, s17, $0xb8;
	[tilespmem:$0x1D000] =	vst v63  }
0x2f: {  	s31 =	sand.u32 $0x3C00, s4;
	s24 =	sshll.u32 s24, $0xE;
	_ =	swait.ge [sflag:s30], $0x4000  }
0x30: {  	s23 =	sshrl.u32 s31, $0x2;
	s24 =	sor.u32 $0x1000, s24;
	[sflag:s30] =	ssyncset.done $0x0  }
0x31: {  	s25 =	simm.s32 $0x3;
	s23 =	sor.u32 $0x80, s23;
	[sflag:s30] =	ssyncadd.s32 $0xFFFFC000  }
0x32: {  	[spmem:s3] =	stream.indirect.scatter.add.f32 [tilespmem:s24], [sflag:$0x3], $0x80, s23, s17, $0xb8;
	[tilespmem:$0x1D000] =	vst v63  }
0x33: {  	s24 =	simm.s32 $0x2;
	s23 =	simm.s32 $0x400;
	_ =	swait.ge [sflag:s16], $0x4000  }
.LBB2_2:
0x34: {  	s26 =	rddreg [dreg:$0x4]  }
0x35: {  	[sflag:s16] =	ssyncset.done $0x0;
	s28 =	smov.u32 s25;
	s29 =	sand.u32 $0x7, s24  }
0x36: {  	s25 =	sadd.s32 $0x1, s25;
	s30 =	sshrl.u32 s24, $0x3;
	p2 =	seq.s32 s29, $0x0  }
0x37: {  	p1 =	sne.s32 s25, $0x50;
	s31 =	sand.u32 $0x1, s30;
	s26 =	sadd.s32 @p2 s26, s30  }
0x38: {  	[sflag:s16] =	ssyncadd.s32 $0xFFFFC000;
	s30 =	sshll.u32 @p2 s31, $0xD;
	s26 =	sshll.u32 @p2 s26, $0xB  }
0x39: {  	s31 =	sshll.u32 @!p2 s31, $0xD;
	s2 =	simm.s32 @p2 $0x0;
	s26 =	sadd.s32 @p2 s6, s26  }
0x3a: {  	s18 =	simm.s32 @p2 $0x3;
	s31 =	smov.u32 @p2 s30;
	s26 =	sshrl.u32 @p2 s26, $0x3  }
0x3b: {  	s0 =	sshrl.u32 @p2 s30, $0x2;
	s30 =	sshrl.u32 s31, $0x2;
	s26 =	sadd.s32 @p2 s5, s26  }
0x3c: {  	[tilespmem:s0], [sflag:$0x3] =	stream.linear.gather @p2 [hbm4b:s26+s2], $0x800, $0x38;
	[tilespmem:$0x1D000] =	vst v63  }
0x3d: {  	s0 =	sadd.s32 $0xFFFFFFFF, s24;
	s2 =	sand.u32 $0x1, s24;
	s26 =	sshll.u32 s29, $0x8  }
0x3e: {  	_ =	swait.ge @p2 [sflag:s18], $0x800;
	s0 =	sand.u32 $0x1, s0;
	s29 =	sshll.u32 s2, $0xE  }
0x3f: {  	s24 =	sadd.s32 s26, s30;
	s2 =	sadd.s32 $0x1, s2;
	[sflag:s18] =	ssyncset.done @p2 $0x0  }
0x40: {  	s30 =	sadd.s32 $0x1, s0;
	[sflag:s18] =	ssyncadd.s32 @p2 $0xFFFFF800;
	s18 =	sor.u32 $0x1000, s29  }
0x41: {  	[tilespmem:s18], [sflag:s2] =	stream.indirect.gather [hbm4b:s1+s17], $0x80, s24, s17, $0xb8;
	[tilespmem:$0x1D000] =	vst v63  }
.Ltmp0:
0x42: {  	s31 =	sand.u32 $0x3C00, s23;
	_ =	swait.ge [sflag:s30], $0x4000;
	(pc) =	sbr.rel @p1 .LBB2_2-.Ltmp0, $4  }
0x43: {  	s31 =	sshrl.u32 s31, $0x2;
	s0 =	sshll.u32 s0, $0xE;
	[sflag:s30] =	ssyncset.done $0x0  }
0x44: {  	s0 =	sor.u32 $0x1000, s0;
	s2 =	sor.u32 $0x80, s31;
	[sflag:s30] =	ssyncadd.s32 $0xFFFFC000  }
0x45: {  	[spmem:s3] =	stream.indirect.scatter.add.f32 [tilespmem:s0], [sflag:$0x3], $0x80, s2, s17, $0xb8;
	[tilespmem:$0x1D000] =	vst v63  }
0x46: {  	s23 =	sadd.s32 $0x400, s23;
	s24 =	smov.u32 s28;
	_ =	swait.ge [sflag:s16], $0x4000  }
0x47: {  	s0 =	rddreg [dreg:$0x4]  }
0x48: {  	s2 =	sand.u32 $0x7, s24;
	s18 =	sshrl.u32 s24, $0x3;
	[sflag:s16] =	ssyncset.done $0x0  }
0x49: {  	s29 =	sand.u32 $0x1, s24;
	p1 =	seq.s32 s2, $0x0;
	s25 =	sand.u32 $0x1, s18  }
0x4a: {  	[sflag:s16] =	ssyncadd.s32 $0xFFFFC000;
	s2 =	sshll.u32 s2, $0x8;
	s0 =	sadd.s32 @p1 s0, s18  }
0x4b: {  	s18 =	sshll.u32 @p1 s25, $0xD;
	s25 =	sshll.u32 @!p1 s25, $0xD;
	s0 =	sshll.u32 @p1 s0, $0xB  }
0x4c: {  	s26 =	simm.s32 @p1 $0x0;
	s25 =	smov.u32 @p1 s18;
	s0 =	sadd.s32 @p1 s6, s0  }
0x4d: {  	s28 =	simm.s32 @p1 $0x3;
	s25 =	sshrl.u32 s25, $0x2;
	s0 =	sshrl.u32 @p1 s0, $0x3  }
0x4e: {  	s18 =	sshrl.u32 @p1 s18, $0x2;
	s2 =	sadd.s32 s2, s25;
	s0 =	sadd.s32 @p1 s5, s0  }
0x4f: {  	[tilespmem:s18], [sflag:$0x3] =	stream.linear.gather @p1 [hbm4b:s0+s26], $0x800, $0x38;
	[tilespmem:$0x1D000] =	vst v63  }
0x50: {  	s26 =	sadd.s32 $0xFFFFFFFF, s24;
	s24 =	sshll.u32 s29, $0xE;
	_ =	swait.ge @p1 [sflag:s28], $0x800  }
0x51: {  	s18 =	sadd.s32 $0x1, s29;
	s0 =	sand.u32 $0x1, s26;
	[sflag:s28] =	ssyncset.done @p1 $0x0  }
0x52: {  	s24 =	sor.u32 $0x1000, s24;
	s30 =	sadd.s32 $0x1, s0;
	[sflag:s28] =	ssyncadd.s32 @p1 $0xFFFFF800  }
0x53: {  	[tilespmem:s24], [sflag:s18] =	stream.indirect.gather [hbm4b:s1+s17], $0x80, s2, s17, $0xb8;
	[tilespmem:$0x1D000] =	vst v63  }
0x54: {  	s31 =	sand.u32 $0x3C00, s23;
	_ =	swait.ge [sflag:s30], $0x4000  }
0x55: {  	s0 =	sshll.u32 s0, $0xE;
	s2 =	sshrl.u32 s31, $0x2;
	[sflag:s30] =	ssyncset.done $0x0  }
0x56: {  	s0 =	sor.u32 $0x1000, s0;
	s2 =	sor.u32 $0x80, s2;
	[sflag:s30] =	ssyncadd.s32 $0xFFFFC000  }
0x57: {  	[spmem:s3] =	stream.indirect.scatter.add.f32 [tilespmem:s0], [sflag:$0x3], $0x80, s2, s17, $0xb8;
	[tilespmem:$0x1D000] =	vst v63  }
0x58: {  	_ =	swait.ge [sflag:s16], $0x4000  }
0x59: {  	[sflag:s16] =	ssyncset.done $0x0  }
0x5a: {  	[sflag:s16] =	ssyncadd.s32 $0xFFFFC000  }
0x5b: {  	_ =	swait.ge [sflag:s19], $0x4000  }
0x5c: {  	[sflag:s19] =	ssyncset.done $0x0  }
0x5d: {  	[sflag:s19] =	ssyncadd.s32 $0xFFFFC000  }
0x5e: {  	[spmem:s3] =	stream.indirect.scatter.add.f32 [tilespmem:s21], [sflag:$0x3], $0x80, s20, s17, $0xb8;
	[tilespmem:$0x1D000] =	vst v63  }
0x5f: {  	_ =	swait.ge [sflag:s16], $0x4000  }
0x60: {  	[sflag:s16] =	ssyncset.done $0x0  }
0x61: {  	[sflag:s16] =	ssyncadd.s32 $0xFFFFC000  }
0x62: {  	s0 =	simm.s32 @p0 $0x1FC3;
	[bflag:$0x0] =	sbarrier.arrive $0xFFFF  }
0x63: {  	[hbm:s11], [sflag:s0] =	dma.local @p0 [spmem:s13], $0x1900  }
0x64: {  	s0 =	simm.s32 @p0 $0x3  }
0x65: {  	s22 =	sadd.s32 $0x1, s22;
	_ =	swait.ge @p0 [sflag:s0], $0x1900  }
0x66: {  	p1 =	sne.s32 s22, s12;
	[sflag:s0] =	ssyncset.done @p0 $0x0  }
.Ltmp1:
0x67: {  	[sflag:s0] =	ssyncadd.s32 @p0 $0xFFFFE700;
	s0 =	simm.s32 @!p0 $0x3;
	(pc) =	sbr.rel @p1 .LBB2_1-.Ltmp1, $4  }
0x68: {  	[hbm:s10], [sflag:s14] =	dma.local @!p0 [spmem:s15], $0x2800  }
0x69: {  	_ =	swait.ge @!p0 [sflag:s0], $0x2800  }
0x6a: {  	[sflag:s0] =	ssyncset.done @!p0 $0x0  }
0x6b: {  	[sflag:s0] =	ssyncadd.s32 @!p0 $0xFFFFD800  }
0x6c: {  	_ =	sfence.sel $0x180000  }
0x6d: {  	[bflag:$0x0] =	sbarrier.arrive $0xFFFF  }
0x6e: {  	_ =	strace $0x9000004D  }
0x6f: {  	s0 =	stileid.u32;
	[bflag:$0x2] =	sbarrier.arrive $0xFFFF  }
0x70: {  	p0 =	sne.s32 s0, $0x0;
	s0 =	rddreg [dreg:$0x3]  }
0x71: {  	s0 =	sadd.s32 @!p0 $0x100000, s0  }
0x72: {  	[sflag:s0] =	ssyncadd.tile.s32 @!p0 $0x1;
	_ =	shalt  }
.Lfunc_end2:
_tile_overlayer_lowered:
.L_overlay_start_2:
0x73: {  	(tag) =	ssettag $0x2  }
0x74: {  	s0 =	rddreg [dreg:$0x0];
	s2 =	stileid.u32  }
0x75: {  	s1 =	rddreg [dreg:$0x1];
	p0 =	sne.s32 s2, $0x0  }
0x76: {  	s3 =	rddreg [dreg:$0x2];
	[bflag:$0x3] =	sbarrier.arrive $0xFFFF;
	s2 =	simm.s32 @!p0 $0x1C03  }
0x77: {  	[timem:s3], [sflag:s2] =	dma.local @!p0 [hbm:s0], s1  }
0x78: {  	s0 =	simm.s32 @!p0 $0x3  }
0x79: {  	_ =	swait.ge @!p0 [sflag:s0], s1  }
0x7a: {  	s1 =	ssub.s32 @!p0 $0x0, s1;
	[sflag:s0] =	ssyncset.done @!p0 $0x0  }
0x7b: {  	[sflag:s0] =	ssyncadd.s32 @!p0 s1  }
0x7c: {  	[bflag:$0x3] =	sbarrier.arrive $0xFFFF  }
0x7d: {  	_ =	shalt  }

// kernel: kernel.8.cloned.1.call-start
scs
__scs_entry_jumppad:
0x0: {  	(pc) =	sbr.rel $0x88, $3  }
0x1: {  	(tag) =	ssettag $0x0;
	lr =	simm.s32 $0x1  }
0x2: {  	[smem:$0x3F9B] =	sst lr;
	_ =	strace $0xD0000000  }
0x3: {  	_ = 	snop  }
0x4: {  	_ = 	snop  }
0x5: {  	_ = 	snop  }
0x6: {  	_ = 	snop  }
0x7: {  	_ = 	snop  }
__scs_overlays_trampoline_lowered:
0x8: {  	[smem:$0x3FAA] =	sst s0  }
0x9: {  	[smem:$0x3FAB] =	sst s1  }
0xa: {  	[smem:$0x3FAC] =	sst s2  }
0xb: {  	[smem:$0x3FAD] =	sst s3  }
0xc: {  	[smem:$0x3FAE] =	sst s4  }
0xd: {  	[smem:$0x3FAF] =	sst s5  }
0xe: {  	[smem:$0x3FB0] =	sst s6  }
0xf: {  	[smem:$0x3FB1] =	sst s7  }
0x10: {  	[smem:$0x3FB2] =	sst s8  }
0x11: {  	[smem:$0x3FB3] =	sst s9;
	s0 =	simm.s32 @!p0 $0x0  }
0x12: {  	s1 =	sld [smem:$0x3F99];
	s0 =	simm.s32 @p0 $0x1  }
0x13: {  	[smem:$0x3FB4] =	sst s0;
	s0 =	simm.s32 @!p1 $0x0  }
0x14: {  	s2 =	sld [smem:$0x3F98];
	s0 =	simm.s32 @p1 $0x1  }
0x15: {  	[smem:$0x3FB5] =	sst s0;
	s0 =	simm.s32 @!p2 $0x0  }
0x16: {  	s3 =	sld [smem:$0x3FDB];
	s0 =	simm.s32 @p2 $0x1  }
0x17: {  	s4 =	simm.s32 $0x1BF5;
	[smem:$0x3FB7] =	sst s0  }
0x18: {  	s0 =	sld [smem:$0x3F9A];
	_ =	swait.ge [sflag:s4], $0x0  }
0x19: {  	s7 =	sld [smem:$0x3F9B]  }
0x1a: {  	s8 =	sadd.s32 $0xFFFFE003, lr  }
0x1b: {  	s9 =	sadd.s32 $0xFFFFFEF7, lr;
	s5 =	simm.s32 $0xFFFFFFFF;
	p2 =	slt.u32 s8, $0xFFFFF086  }
0x1c: {  	p1 =	slt.u32 s9, $0xF7A;
	s5 =	simm.s32 @!p2 $0x0  }
0x1d: {  	s5 =	simm.s32 @p1 $0x1;
	p0 =	seq.s32 s7, s2  }
0x1e: {  	s7 =	smul.u32 @!p0 $0xF7A, s2;
	p2 =	seq.s32 @!p0 s5, $0x0  }
0x1f: {  	s9 =	smul.u32 $0xF7A, s1;
	s8 =	simm.s32 @!p0 $0x1BF5;
	p2 =	por !p2, p0  }
0x20: {  	[sflag:s8] =	ssyncset.s32 @!p0 $0xFFFFF086;
	s6 =	sadd.s32 @!p0 s3, s7;
	s7 =	simm.s32 @!p0 $0x108  }
0x21: {  	s3 =	sadd.s32 s3, s9;
	s6 =	sadd.s32 @!p0 $0x88, s6;
	s7 =	simm.s32 @p2 $0x1082  }
0x22: {  	[simem:s7], [sflag:s8] =	dma.local @!p0 [hbm:s6], $0xF7A  }
0x23: {  	s9 =	sor.u32 $0xD0000000, s2;
	s6 =	simm.s32 $0x108;
	_ =	swait.ge @!p0 [sflag:s8], $0x0  }
0x24: {  	s3 =	sadd.s32 $0x88, s3;
	s6 =	simm.s32 @!p1 $0x1082;
	[sflag:s4] =	ssyncset.s32 $0xFFFFF086  }
0x25: {  	[simem:s6], [sflag:s4] =	dma.local [hbm:s3], $0xF7A  }
0x26: {  	[smem:$0x3F9B] =	sst s1;
	(tag) =	ssettag s2;
	_ =	strace s9  }
0x27: {  	s1 =	sld [smem:$0x3FAB]  }
0x28: {  	s2 =	sld [smem:$0x3FAC]  }
0x29: {  	s4 =	sld [smem:$0x3FAE]  }
0x2a: {  	p0 =	seq.s32 s5, $0x0;
	s5 =	sld [smem:$0x3FAF]  }
0x2b: {  	s6 =	sld [smem:$0x3FB0]  }
0x2c: {  	s7 =	sld [smem:$0x3FB1]  }
0x2d: {  	s3 =	simm.s32 $0x108;
	s8 =	sld [smem:$0x3FB2]  }
0x2e: {  	s3 =	simm.s32 @!p0 $0x1082;
	s9 =	sld [smem:$0x3FB3]  }
0x2f: {  	lr =	sadd.s32 s0, s3;
	s0 =	sld [smem:$0x3FAA]  }
0x30: {  	s3 =	sld [smem:$0x3FAD]  }
0x31: {  	[smem:$0x3FB6] =	sst s10  }
0x32: {  	s10 =	sld [smem:$0x3FB4];
	_ =	sdelay $0x3  }
0x33: {  	p0 =	seq.s32 s10, $0x1;
	s10 =	sld [smem:$0x3FB6];
	_ =	sdelay $0x3  }
0x34: {  	[smem:$0x3FB6] =	sst s10  }
0x35: {  	s10 =	sld [smem:$0x3FB5];
	_ =	sdelay $0x3  }
0x36: {  	p1 =	seq.s32 s10, $0x1;
	s10 =	sld [smem:$0x3FB6];
	_ =	sdelay $0x3  }
0x37: {  	[smem:$0x3FB6] =	sst s10  }
0x38: {  	s10 =	sld [smem:$0x3FB7]  }
0x39: {  	_ = 	snop;
	(pc) =	sbr.ind lr, $3  }
0x3a: {  	_ = 	snop  }
0x3b: {  	_ = 	snop  }
0x3c: {  	p2 =	seq.s32 s10, $0x1;
	s10 =	sld [smem:$0x3FB6]  }
0x3d: {  	_ =	shalt  }
0x3e: {  	_ =	shalt  }
0x3f: {  	_ =	shalt  }
0x40: {  	_ =	shalt  }
0x41: {  	_ =	shalt  }
0x42: {  	_ =	shalt  }
0x43: {  	_ =	shalt  }
0x44: {  	_ =	shalt  }
0x45: {  	_ =	shalt  }
0x46: {  	_ =	shalt  }
0x47: {  	_ =	shalt  }
0x48: {  	_ =	shalt  }
0x49: {  	_ =	shalt  }
0x4a: {  	_ =	shalt  }
0x4b: {  	_ =	shalt  }
0x4c: {  	_ =	shalt  }
0x4d: {  	_ =	shalt  }
0x4e: {  	_ =	shalt  }
0x4f: {  	_ =	shalt  }
0x50: {  	_ =	shalt  }
0x51: {  	_ =	shalt  }
0x52: {  	_ =	shalt  }
0x53: {  	_ =	shalt  }
0x54: {  	_ =	shalt  }
0x55: {  	_ =	shalt  }
0x56: {  	_ =	shalt  }
0x57: {  	_ =	shalt  }
0x58: {  	_ =	shalt  }
0x59: {  	_ =	shalt  }
0x5a: {  	_ =	shalt  }
0x5b: {  	_ =	shalt  }
0x5c: {  	_ =	shalt  }
0x5d: {  	_ =	shalt  }
0x5e: {  	_ =	shalt  }
0x5f: {  	_ =	shalt  }
0x60: {  	_ =	shalt  }
0x61: {  	_ =	shalt  }
0x62: {  	_ =	shalt  }
0x63: {  	_ =	shalt  }
0x64: {  	_ =	shalt  }
0x65: {  	_ =	shalt  }
0x66: {  	_ =	shalt  }
0x67: {  	_ =	shalt  }
0x68: {  	_ =	shalt  }
0x69: {  	_ =	shalt  }
0x6a: {  	_ =	shalt  }
0x6b: {  	_ =	shalt  }
0x6c: {  	_ =	shalt  }
0x6d: {  	_ =	shalt  }
0x6e: {  	_ =	shalt  }
0x6f: {  	_ =	shalt  }
0x70: {  	_ =	shalt  }
0x71: {  	_ =	shalt  }
0x72: {  	_ =	shalt  }
0x73: {  	_ =	shalt  }
0x74: {  	_ =	shalt  }
0x75: {  	_ =	shalt  }
0x76: {  	_ =	shalt  }
0x77: {  	_ =	shalt  }
0x78: {  	_ =	shalt  }
0x79: {  	_ =	shalt  }
0x7a: {  	_ =	shalt  }
0x7b: {  	_ =	shalt  }
0x7c: {  	_ =	shalt  }
0x7d: {  	_ =	shalt  }
0x7e: {  	_ =	shalt  }
0x7f: {  	_ =	shalt  }
0x80: {  	_ =	shalt  }
0x81: {  	_ =	shalt  }
0x82: {  	_ =	shalt  }
0x83: {  	_ =	shalt  }
0x84: {  	_ =	shalt  }
0x85: {  	_ =	shalt  }
0x86: {  	_ =	shalt  }
0x87: {  	_ =	shalt  }
.Lfunc_end0:
.L_simem_size_0:
called_computation_lowered:
.L_overlay_start_0:
0x88: {  	s2 =	sld [smem:$0x3FD9]  }
0x89: {  	s3 =	sld [smem:$0x3FFE];
	_ =	sdelay $0x1  }
0x8a: {  	s1 =	srdreg.scid  }
0x8b: {  	s0 =	sand.u32 $0x1, s1  }
0x8c: {  	s17 =	sshll.u32 s0, $0xA;
	s2 =	sadd.s32 s3, s2  }
0x8d: {  	s2 =	sadd.s32 s2, s17  }
0x8e: {  	[smem:$0x3FC2] =	sst s2  }
0x8f: {  	_ = 	snop  }
0x90: {  	s2 =	sld [smem:$0x3FD0];
	(tm) =	ssettm $0x1  }
0x91: {  	s18 =	sld [smem:$0x3FFB];
	_ =	sdelay $0x3  }
0x92: {  	_ =	strace s18  }
0x93: {  	s3 =	sld [smem:$0x3FFC];
	_ =	sdelay $0x3  }
0x94: {  	_ =	strace s3  }
0x95: {  	s3 =	sld [smem:$0x3FFD];
	_ =	sdelay $0x3  }
0x96: {  	_ =	strace s3  }
0x97: {  	_ =	strace $0x8FFFFFFF  }
0x98: {  	s19 =	sld [smem:$0x3FDB];
	_ =	sdelay $0x1  }
0x99: {  	s4 =	simm.s32 $_scs_section_size  }
0x9a: {  	s5 =	simm.s32 $_size__tile_overlayer_lowered;
	s6 =	simm.s32 $_tile_overlayer_lowered  }
0x9b: {  	s22 =	simm.s32 $0x1BFF;
	s21 =	sshll.u32 s6, $0x1;
	s3 =	sadd.s32 s4, s19  }
0x9c: {  	s7 =	simm.s32 $0x0;
	s20 =	sshll.u32 s5, $0x1;
	s5 =	sadd.s32 s21, s3  }
0x9d: {  	[timem:s7], [sflag:s22] =	dma.local [hbm:s5], s20  }
0x9e: {  	_ =	swait.ge [sflag:s22], s20  }
0x9f: {  	s4 =	ssub.s32 $0x0, s20;
	[sflag:s22] =	ssyncset.done $0x0  }
0xa0: {  	[sflag:s22] =	ssyncadd.s32 s4;
	_ =	sdelay $0x1  }
0xa1: {  	s23 =	simm.s32 $0x1B8B  }
0xa2: {  	_ =	swait.ge [sflag:s23], $0x1  }
0xa3: {  	[sflag:s23] =	ssyncset.done $0x0  }
0xa4: {  	s25 =	simm.s32 $0x1B8E;
	s24 =	sld [smem:$0x3FFE];
	[sflag:s23] =	ssyncadd.s32 $0xFFFFFFFF  }
0xa5: {  	s26 =	simm.s32 $execute0_lowered;
	[smem:$0x3FD2] =	sst s25  }
0xa6: {  	s5 =	sshll.u32 s26, $0x1;
	_ =	strace $0x80000046;
	[dreg:$0x1] =	wrdreg $0xFFFFFFFF  }
0xa7: {  	s28 =	simm.s32 $_size_execute0_lowered;
	s3 =	sadd.s32 s3, s5;
	[dreg:$0x0] =	wrdreg $0x0  }
0xa8: {  	s5 =	sshll.u32 s28, $0x1;
	[dreg:$0x2] =	wrdreg s3  }
0xa9: {  	[dreg:$0x3] =	wrdreg s5  }
0xaa: {  	[dreg:$0x4] =	wrdreg $0xC0  }
0xab: {  	_ =	task [dreg:s7], $0x5FFFF  }
0xac: {  	[dreg:$0x1] =	wrdreg $0xFFFFFFFF  }
0xad: {  	[dreg:$0x0] =	wrdreg $0x60  }
0xae: {  	[dreg:$0x2] =	wrdreg s2  }
0xaf: {  	[dreg:$0x3] =	wrdreg s24  }
0xb0: {  	[dreg:$0x4] =	wrdreg $0x4000  }
0xb1: {  	[dreg:$0x5] =	wrdreg $0x9  }
0xb2: {  	_ =	task.clear_ibuf [dreg:s7], $0x6FFFF;
	_ =	strace $0x90000046  }
0xb3: {  	s29 =	simm.s32 $0x9;
	_ =	strace $0x80000048  }
0xb4: {  	_ =	swait.ge [sflag:s29], $0x1  }
0xb5: {  	[sflag:s29] =	ssyncadd.s32 $0xFFFFFFFF  }
0xb6: {  	_ =	strace $0x90000048  }
0xb7: {  	_ =	sfence  }
0xb8: {  	s30 =	sld [smem:$0x0];
	_ =	sdelay $0x2  }
0xb9: {  	s31 =	sshll.u32 s1, $0xD;
	s1 =	sshrl.u32 s1, $0x2  }
0xba: {  	s3 =	sand.u32 $0x4000, s31;
	s1 =	sadd.s32 s1, s30  }
0xbb: {  	s0 =	sor.u32 s3, s0;
	s1 =	sshll.u32 s1, $0x11  }
0xbc: {  	s0 =	sor.u32 s1, s0  }
0xbd: {  	s0 =	sadd.s32 $0x8F2B, s0  }
0xbe: {  	[sflag:s0] =	ssyncadd.remote.s32 $0x1  }
0xbf: {  	_ =	sfence.sel $0xFFFF  }
0xc0: {  	[dreg:$0x0] =	wrdreg $0xFFFFFFFF;
	(pc) =	sbr.abs _section_cstart, $3  }
0xc1: {  	[dreg:$0x1] =	wrdreg $0xFFFFFFFF  }
0xc2: {  	_ =	task.clear_ibuf [dreg:s7], $0x2FFFF;
	_ =	strace $0x9FFFFFFF  }
0xc3: {  	(tm) =	ssettm $0x7FFFFFFF  }
tec
execute0_lowered:
.L_overlay_start_1:
0x0: {  	(tag) =	ssettag $0x1  }
0x1: {  	s1 =	rddreg [dreg:$0x0]  }
0x2: {  	s5 =	rddreg [dreg:$0x1];
	s2 =	srdreg.scid  }
0x3: {  	s0 =	stileid.u32;
	s3 =	rddreg [dreg:$0x2];
	s4 =	simm.s32 $0x0  }
0x4: {  	s12 =	simm.s32 $0x100;
	s15 =	simm.s32 $0x20;
	s16 =	simm.s32 $0x10  }
0x5: {  	s6 =	sand.u32 $0x1, s2;
	s7 =	smul.u32 $0x500, s0;
	s2 =	rddreg [dreg:$0x3]  }
0x6: {  	s17 =	simm.s32 $0x0;
	[smem:$0x7FF] =	sst s4;
	s29 =	smul.u32 $0xA00, s0  }
0x7: {  	s10 =	smul.u32 $0x280, s0;
	s13 =	sshll.u32 s0, $0x6;
	s8 =	sshll.u32 s6, $0x7  }
0x8: {  	_ =	strace $0x80000047;
	s30 =	ssub.s32 $0x2, s6;
	s9 =	smul.u32 $0x2800, s6  }
0x9: {  	s13 =	sor.u32 $0x1C01, s13;
	s7 =	sor.u32 s8, s7;
	s31 =	sshrl.u32 s30, $0x1  }
0xa: {  	s8 =	sshrl.u32 s29, $0x2;
	s7 =	sshrl.u32 s7, $0x3;
	s11 =	ssub.s32 s30, s31  }
0xb: {  	s7 =	sadd.s32 s7, s5;
	s5 =	sadd.s32 s8, s3;
	s8 =	sadd.s32 s10, s9  }
0xc: {  	s9 =	simm.s32 $0x180;
	s10 =	simm.s32 $0x1;
	s6 =	sadd.s32 $0x1800, s7  }
0xd: {  	v0 =	vimm.f32 $1.000000000e+00;
	v1 =	vimm.f32 $0.0e+00;
	s7 =	smax.u32 s11, $0x1;
	s11 =	simm.s32 $0x80;
	s14 =	sshrl.u32 s5, $0x3  }
.LBB2_1:
0xe: {  	[tilespmem:$0x100] =	vst v0  }
0xf: {  	[tilespmem:$0x110] =	vst v0  }
0x10: {  	[tilespmem:$0x120] =	vst v0  }
0x11: {  	[tilespmem:$0x130] =	vst v0  }
0x12: {  	[tilespmem:$0x140] =	vst v0  }
0x13: {  	[tilespmem:$0x150] =	vst v0  }
0x14: {  	[tilespmem:$0x160] =	vst v0  }
0x15: {  	[tilespmem:$0x170] =	vst v0  }
0x16: {  	[tilespmem:$0x180] =	vst v1  }
0x17: {  	[tilespmem:$0x190] =	vst v1  }
0x18: {  	[tilespmem:$0x1A0] =	vst v1  }
0x19: {  	[tilespmem:$0x1B0] =	vst v1  }
0x1a: {  	[tilespmem:$0x1C0] =	vst v1  }
0x1b: {  	[tilespmem:$0x1D0] =	vst v1  }
0x1c: {  	[tilespmem:$0x1E0] =	vst v1  }
0x1d: {  	[tilespmem:$0x1F0] =	vst v1  }
0x1e: {  	[tilespmem:$0x200] =	vst v1  }
0x1f: {  	[tilespmem:$0x210] =	vst v1  }
0x20: {  	[tilespmem:$0x220] =	vst v1  }
0x21: {  	[tilespmem:$0x230] =	vst v1  }
0x22: {  	[tilespmem:$0x240] =	vst v1  }
0x23: {  	[tilespmem:$0x250] =	vst v1  }
0x24: {  	[tilespmem:$0x260] =	vst v1  }
0x25: {  	[tilespmem:$0x270] =	vst v1  }
0x26: {  	[tilespmem:$0x280] =	vst v1  }
0x27: {  	[tilespmem:$0x290] =	vst v1  }
0x28: {  	[tilespmem:$0x2A0] =	vst v1  }
0x29: {  	[tilespmem:$0x2B0] =	vst v1  }
0x2a: {  	[tilespmem:$0x2C0] =	vst v1  }
0x2b: {  	[tilespmem:$0x2D0] =	vst v1  }
0x2c: {  	[tilespmem:$0x2E0] =	vst v1  }
0x2d: {  	[tilespmem:$0x2F0] =	vst v1  }
0x2e: {  	[tilespmem:$0x300] =	vst v1  }
0x2f: {  	[tilespmem:$0x310] =	vst v1  }
0x30: {  	[tilespmem:$0x320] =	vst v1  }
0x31: {  	[tilespmem:$0x330] =	vst v1  }
0x32: {  	[tilespmem:$0x340] =	vst v1  }
0x33: {  	[tilespmem:$0x350] =	vst v1  }
0x34: {  	[tilespmem:$0x360] =	vst v1  }
0x35: {  	[tilespmem:$0x370] =	vst v1  }
0x36: {  	[tilespmem:$0x380] =	vst v1  }
0x37: {  	[tilespmem:$0x390] =	vst v1  }
0x38: {  	[tilespmem:$0x3A0] =	vst v1  }
0x39: {  	[tilespmem:$0x3B0] =	vst v1  }
0x3a: {  	[tilespmem:$0x3C0] =	vst v1  }
0x3b: {  	[tilespmem:$0x3D0] =	vst v1  }
0x3c: {  	[tilespmem:$0x3E0] =	vst v1  }
0x3d: {  	[tilespmem:$0x3F0] =	vst v1  }
0x3e: {  	[spmem:s5] =	stream.linear.scatter [tilespmem:s9], [sflag:$0x1], $0x280, $0x38;
	[tilespmem:$0x680] =	vst v63  }
0x3f: {  	_ =	swait.ge [sflag:s10], $0x280  }
0x40: {  	s18 =	sadd.s32 $0x0, s8;
	s19 =	sand.u32 $0x70, s4;
	[sflag:s10] =	ssyncset.done $0x0  }
0x41: {  	s18 =	sand.u32 $0xFF80, s18;
	s19 =	sadd.s32 s1, s19;
	[sflag:s10] =	ssyncadd.s32 $0xFFFFFD80  }
0x42: {  	s18 =	sadd.s32 s18, s19;
	[bflag:$0x0] =	sbarrier.arrive $0xFFFF  }
0x43: {  	[tilespmem:s4], [sflag:$0x1] =	stream.linear.gather [hbm4b:s18+s4], $0x80, $0x38;
	[tilespmem:$0x680] =	vst v63  }
0x44: {  	_ =	swait.ge [sflag:s10], $0x80  }
0x45: {  	[sflag:s10] =	ssyncset.done $0x0  }
0x46: {  	s31 =	simm.s32 $0x10;
	s20 =	sadd.s32 $0x10, s8;
	[sflag:s10] =	ssyncadd.s32 $0xFFFFFF80  }
0x47: {  	[spmem:s3] =	stream.indirect.scatter.add.f32 [tilespmem:s12], [sflag:$0x1], $0x1, s4, s11, $0xb8;
	[tilespmem:$0x680] =	vst v63  }
0x48: {  	s21 =	sand.u32 $0x70, s31;
	s19 =	sand.u32 $0xFF80, s20;
	_ =	swait.ge [sflag:s10], $0x80  }
0x49: {  	s20 =	sadd.s32 s1, s21;
	s18 =	simm.s32 $0x20;
	[sflag:s10] =	ssyncset.done $0x0  }
.LBB2_2:
0x4a: {  	s19 =	sadd.s32 s19, s20  }
0x4b: {  	[sflag:s10] =	ssyncadd.s32 $0xFFFFFF80;
	s20 =	smov.u32 s18;
	s21 =	sadd.s32 $0x10, s18  }
0x4c: {  	[tilespmem:s4], [sflag:$0x1] =	stream.linear.gather [hbm4b:s19+s4], $0x80, $0x38;
	[tilespmem:$0x680] =	vst v63  }
0x4d: {  	p0 =	sne.s32 s18, $0x270;
	_ =	swait.ge [sflag:s10], $0x80  }
.Ltmp0:
0x4e: {  	[sflag:s10] =	ssyncset.done $0x0;
	(pc) =	sbr.rel @p0 .LBB2_2-.Ltmp0, $4  }
0x4f: {  	s18 =	sadd.s32 s20, s8;
	[sflag:s10] =	ssyncadd.s32 $0xFFFFFF80  }
0x50: {  	[spmem:s3] =	stream.indirect.scatter.add.f32 [tilespmem:s12], [sflag:$0x1], $0x1, s4, s11, $0xb8;
	[tilespmem:$0x680] =	vst v63  }
0x51: {  	s20 =	sand.u32 $0x70, s20;
	s19 =	sand.u32 $0xFF80, s18;
	_ =	swait.ge [sflag:s10], $0x80  }
0x52: {  	s20 =	sadd.s32 s1, s20;
	s18 =	smov.u32 s21;
	[sflag:s10] =	ssyncset.done $0x0  }
0x53: {  	s18 =	sadd.s32 s19, s20;
	[sflag:s10] =	ssyncadd.s32 $0xFFFFFF80  }
0x54: {  	[tilespmem:s4], [sflag:$0x1] =	stream.linear.gather [hbm4b:s18+s4], $0x80, $0x38;
	[tilespmem:$0x680] =	vst v63  }
0x55: {  	_ =	swait.ge [sflag:s10], $0x80  }
0x56: {  	[sflag:s10] =	ssyncset.done $0x0  }
0x57: {  	[sflag:s10] =	ssyncadd.s32 $0xFFFFFF80  }
0x58: {  	[spmem:s3] =	stream.indirect.scatter.add.f32 [tilespmem:s12], [sflag:$0x1], $0x1, s4, s11, $0xb8;
	[tilespmem:$0x680] =	vst v63  }
0x59: {  	_ =	swait.ge [sflag:s10], $0x80  }
0x5a: {  	s17 =	sadd.s32 $0x1, s17;
	[sflag:s10] =	ssyncset.done $0x0  }
0x5b: {  	p0 =	sne.s32 s17, s7;
	[sflag:s10] =	ssyncadd.s32 $0xFFFFFF80  }
.Ltmp1:
0x5c: {  	[bflag:$0x0] =	sbarrier.arrive $0xFFFF;
	(pc) =	sbr.rel @p0 .LBB2_1-.Ltmp1, $4  }
0x5d: {  	[hbm:s6@s15], [sflag:s13] =	dma.strided [spmem:s14@s16], $0x50, s10, $0x10   }
0x5e: {  	_ =	swait.ge [sflag:s10], $0x50  }
0x5f: {  	[sflag:s10] =	ssyncset.done $0x0  }
0x60: {  	[sflag:s10] =	ssyncadd.s32 $0xFFFFFFB0  }
0x61: {  	_ =	sfence.sel $0x180000  }
0x62: {  	[bflag:$0x0] =	sbarrier.arrive $0xFFFF  }
0x63: {  	p0 =	sne.s32 s0, $0x0;
	_ =	strace $0x90000047  }
0x64: {  	s0 =	sadd.s32 @!p0 $0x100000, s2;
	[bflag:$0x2] =	sbarrier.arrive $0xFFFF  }
0x65: {  	[sflag:s0] =	ssyncadd.tile.s32 @!p0 $0x1;
	_ =	shalt  }
.Lfunc_end2:
_tile_overlayer_lowered:
.L_overlay_start_2:
0x66: {  	(tag) =	ssettag $0x2  }
0x67: {  	s0 =	rddreg [dreg:$0x0];
	s2 =	stileid.u32  }
0x68: {  	s1 =	rddreg [dreg:$0x1];
	p0 =	sne.s32 s2, $0x0  }
0x69: {  	s3 =	rddreg [dreg:$0x2];
	[bflag:$0x3] =	sbarrier.arrive $0xFFFF;
	s2 =	simm.s32 @!p0 $0x1C01  }
0x6a: {  	[timem:s3], [sflag:s2] =	dma.local @!p0 [hbm:s0], s1  }
0x6b: {  	s0 =	simm.s32 @!p0 $0x1  }
0x6c: {  	_ =	swait.ge @!p0 [sflag:s0], s1  }
0x6d: {  	s1 =	ssub.s32 @!p0 $0x0, s1;
	[sflag:s0] =	ssyncset.done @!p0 $0x0  }
0x6e: {  	[sflag:s0] =	ssyncadd.s32 @!p0 s1  }
0x6f: {  	[bflag:$0x3] =	sbarrier.arrive $0xFFFF  }
0x70: {  	_ =	shalt  }

</sc_bundles>
